<compile_context>
chip_gen: v7x
topology: tpu7x:2x2x1
jax: 0.10.2.dev20260603
libtpu: 0.0.44.dev20260713+nightly
codegen_flags: <defaults>
</compile_context>

<pallas_src>
import dataclasses

import jax
import jax.numpy as jnp
from jax import lax
from jax.experimental import pallas as pl
from jax.experimental.pallas import tpu as pltpu
from jax.experimental.pallas import tpu_sc as plsc

N0, N1, K = 4096, 20, 1000
NC, NS, L = 2, 16, 16
NW = NC * NS
IPW = N0 // NW
RPW = IPW * N1
NBUF = 2


def _sc_body(idx_hbm, values_hbm, out_hbm, idx_v, vals_v, buf0, buf1, sems):
    c = lax.axis_index("c")
    s = lax.axis_index("s")
    w = s * NC + c
    base_i = w * IPW

    pltpu.sync_copy(idx_hbm.at[pl.ds(base_i * 32, IPW * 32)], idx_v)
    pltpu.sync_copy(values_hbm, vals_v)

    lanes = lax.iota(jnp.int32, 16)
    zeros16 = jnp.zeros((16,), jnp.int32)
    off_vec = vals_v[pl.ds(0, 16)]
    on_vec = vals_v[pl.ds(16, 16)]

    bufs = (buf0, buf1)

    for b in range(NBUF):
        for j in range(N1):
            def _fill(ci, _, b=b, j=j):
                bufs[b][0, j, pl.ds(ci * 16, 16)] = off_vec
                return _
            lax.fori_loop(0, K // 16, _fill, None)
            plsc.store_scatter(
                bufs[b],
                [zeros16, jnp.full((16,), j, jnp.int32), (K - 16) + lanes],
                off_vec,
            )

    j_a = jnp.minimum(lanes, N1 - 1)
    j_b = jnp.minimum(lanes + 16, N1 - 1)
    mask_a = lanes < 16
    mask_b = lanes < (N1 - 16)

    def _load_kv(si):
        lr0 = si * 32
        kv_a = idx_v[pl.ds(lr0, 16)]
        kv_b = idx_v[pl.ds(lr0 + 16, 16)]
        return jnp.minimum(kv_a, K - 1), jnp.minimum(kv_b, K - 1)

    def _poke(buf, si, val_vec):
        kv_a, kv_b = _load_kv(si)
        plsc.store_scatter(buf, [zeros16, j_a, kv_a], val_vec, mask=mask_a)
        plsc.store_scatter(buf, [zeros16, j_b, kv_b], val_vec, mask=mask_b)

    def _copy(buf, si, b):
        return pltpu.make_async_copy(
            buf, out_hbm.at[pl.ds(base_i + si, 1)], sems.at[b]
        )

    for b in range(NBUF):
        _poke(bufs[b], b, on_vec)
        _copy(bufs[b], b, b).start()

    def _step(g, _):
        for b in range(NBUF):
            si = g * NBUF + b
            buf = bufs[b]
            _copy(buf, si - NBUF, b).wait()
            _poke(buf, si - NBUF, off_vec)
            _poke(buf, si, on_vec)
            _copy(buf, si, b).start()
        return _

    lax.fori_loop(1, IPW // NBUF, _step, None)

    for b in range(NBUF):
        _copy(bufs[b], IPW - NBUF + b, b).wait()


_SC_PARAMS = pltpu.CompilerParams()
if "needs_layout_passes" in pltpu.CompilerParams.__dataclass_fields__:
    _SC_PARAMS = dataclasses.replace(_SC_PARAMS, needs_layout_passes=False)
if "use_tc_tiling_on_sc" in pltpu.CompilerParams.__dataclass_fields__:
    _SC_PARAMS = dataclasses.replace(_SC_PARAMS, use_tc_tiling_on_sc=True)


def kernel(indices, values):
    fn = pl.kernel(
        _sc_body,
        out_type=jax.ShapeDtypeStruct((N0, N1, K), jnp.float32),
        mesh=plsc.VectorSubcoreMesh(core_axis_name="c", subcore_axis_name="s"),
        compiler_params=_SC_PARAMS,
        scratch_types=[
            pltpu.VMEM((IPW * 32,), jnp.int32),
            pltpu.VMEM((32,), jnp.float32),
            pltpu.VMEM((1, N1, K), jnp.float32),
            pltpu.VMEM((1, N1, K), jnp.float32),
            pltpu.SemaphoreType.DMA((NBUF,)),
        ],
    )
    values_splat = jnp.repeat(values, 16)
    idx_padded = jnp.pad(indices, ((0, 0), (0, 32 - N1))).reshape(N0 * 32)
    return fn(idx_padded, values_splat)

# --- scband reference (transcript-rebuilt; emitter-appended) ---
"""Pipeline reference for scband-onnx-one-hot-22874995818834 (READ-ONLY COPY).

The authoritative reference and input builder live on the scoring server;
editing this copy changes nothing except your own understanding.
"""

import jax, jax.numpy as jnp
import numpy as np

DEPTH = 1000
AXIS = -1
NON_ZERO_VALUES_ONLY = False


def setup_inputs(seed: int = 0) -> dict:
    key = jax.random.key(seed)
    k1, k2 = jax.random.split(key)
    indices = jax.random.randint(k1, (4096, 20), 0, DEPTH, dtype=jnp.int32)
    # values = [off_value, on_value]; arange(2) -> [0., 1.]
    values = jnp.arange(2).astype(jnp.float32)
    return {"indices": indices, "values": values}


def reference(indices, values):
    # Faithful translation of OnnxOneHot.forward
    if NON_ZERO_VALUES_ONLY:
        off_value, on_value = (-1.0, 1.0)
    else:
        off_value, on_value = values[0], values[1]
    # F.one_hot(indices, depth) -> one-hot on last axis
    out = jax.nn.one_hot(indices, DEPTH, dtype=values.dtype)
    out = out * (on_value - off_value) + off_value
    rank = indices.ndim
    axis = AXIS
    if axis < 0:
        axis += rank + 1
    if axis != rank:
        order = list(range(rank))
        order.insert(axis, rank)  # insert the one-hot axis (last dim) at `axis`
        out = jnp.transpose(out, order)
    return out

if __name__ == "__main__":
    import jax
    _d = setup_inputs()
    print(jax.jit(kernel)(*tuple(_d.values())))

</pallas_src>

<mosaic_0001>
#map = affine_map<(d0, d1) -> (0)>
#map1 = affine_map<(d0, d1) -> (0, 0, 0)>
module attributes {stable_mosaic.version = 14 : i64} {
  func.func @_sc_body(%arg0: i32, %arg1: i32, %arg2: memref<131072xi32, #tpu.memory_space<hbm>>, %arg3: memref<32xf32, #tpu.memory_space<hbm>>, %arg4: memref<4096x20x1000xf32, #tpu.memory_space<hbm>>, %arg5: memref<4096xi32, #tpu.memory_space<vmem>>, %arg6: memref<32xf32, #tpu.memory_space<vmem>>, %arg7: memref<1x20x1000xf32, #tpu.memory_space<vmem>>, %arg8: memref<1x20x1000xf32, #tpu.memory_space<vmem>>, %arg9: memref<2x!tpu.dma_semaphore, #tpu.memory_space<semaphore_mem>>) attributes {dimension_semantics = [#tpu.dimension_semantics<core_parallel>, #tpu.dimension_semantics<subcore_parallel>], iteration_bounds = array<i64: 2, 16>, scalar_prefetch = 0 : i64, scratch_operands = 5 : i64, tpu.core_type = #tpu.core_type<sc_vector_subcore>, window_params = [{transform_indices = #map}, {transform_indices = #map}, {transform_indices = #map1}]} {
    %mul3A = arith.constant 2 : i32
    %mul3A_0 = arith.muli %arg1, %mul3A : i32
    %add3A = arith.addi %mul3A_0, %arg0 : i32
    %mul3A_1 = arith.constant 128 : i32
    %mul3A_2 = arith.muli %add3A, %mul3A_1 : i32
    %mul3A_3 = arith.constant 32 : i32
    %mul3A_4 = arith.muli %mul3A_2, %mul3A_3 : i32
    "tpu.region"() ({
      %run_scoped3A = tpu.sem_alloc : memref<!tpu.dma_semaphore, #tpu.memory_space<semaphore_mem>>
      %dma_start3A_488 = tpu.memref_slice %arg2[%mul3A_4] : memref<131072xi32, #tpu.memory_space<hbm>> -> memref<4096xi32, #tpu.memory_space<hbm>>
      %dma_start3A_489 = tpu.memref_slice %arg2[%mul3A_4] : memref<131072xi32, #tpu.memory_space<hbm>> -> memref<4096xi32, #tpu.memory_space<hbm>>
      tpu.enqueue_dma source(%dma_start3A_489 : memref<4096xi32, #tpu.memory_space<hbm>>) target(%arg5 : memref<4096xi32, #tpu.memory_space<vmem>>) target_semaphore(%run_scoped3A : memref<!tpu.dma_semaphore, #tpu.memory_space<semaphore_mem>>)
      %dma_wait3A_490 = tpu.memref_slice %arg2[%mul3A_4] : memref<131072xi32, #tpu.memory_space<hbm>> -> memref<4096xi32, #tpu.memory_space<hbm>>
      %dma_wait3A_491 = tpu.memref_slice %arg2[%mul3A_4] : memref<131072xi32, #tpu.memory_space<hbm>> -> memref<4096xi32, #tpu.memory_space<hbm>>
      tpu.wait_dma2 semaphore(%run_scoped3A : memref<!tpu.dma_semaphore, #tpu.memory_space<semaphore_mem>>) src(%dma_wait3A_491 : memref<4096xi32, #tpu.memory_space<hbm>>) dst(%arg5 : memref<4096xi32, #tpu.memory_space<vmem>>)
      tpu.yield
    }) : () -> ()
    "tpu.region"() ({
      %run_scoped3A = tpu.sem_alloc : memref<!tpu.dma_semaphore, #tpu.memory_space<semaphore_mem>>
      tpu.enqueue_dma source(%arg3 : memref<32xf32, #tpu.memory_space<hbm>>) target(%arg6 : memref<32xf32, #tpu.memory_space<vmem>>) target_semaphore(%run_scoped3A : memref<!tpu.dma_semaphore, #tpu.memory_space<semaphore_mem>>)
      tpu.wait_dma2 semaphore(%run_scoped3A : memref<!tpu.dma_semaphore, #tpu.memory_space<semaphore_mem>>) src(%arg3 : memref<32xf32, #tpu.memory_space<hbm>>) dst(%arg6 : memref<32xf32, #tpu.memory_space<vmem>>)
      tpu.yield
    }) : () -> ()
    %iota3A = tpu.iota {dimensions = array<i32: 0>} : vector<16xi32>
    %broadcast_in_dim3A = arith.constant 0 : i32
    %broadcast_in_dim3A_5 = vector.broadcast %broadcast_in_dim3A : i32 to vector<16xi32>
    %get3A = arith.constant 0 : index
    %get3A_6 = tpu.vector_load %arg6[%get3A] {strides = array<i32>} : memref<32xf32, #tpu.memory_space<vmem>>, vector<16xf32>,
    %get3A_7 = arith.constant 16 : index
    %get3A_8 = tpu.vector_load %arg6[%get3A_7] {strides = array<i32>} : memref<32xf32, #tpu.memory_space<vmem>>, vector<16xf32>,
    %scan3A = arith.constant 0 : i32
    %scan3A_9 = arith.constant 62 : i32
    %scan3A_10 = arith.addi %scan3A, %scan3A_9 : i32
    %scan3A_11 = arith.constant 1 : i32
    scf.for %scan3A_488 = %scan3A to %scan3A_10 step %scan3A_11  : i32 {
      %mul3A_489 = arith.constant 16 : i32
      %mul3A_490 = arith.muli %scan3A_488, %mul3A_489 : i32
      %swap3A = arith.constant 0 : i32
      %swap3A_491 = arith.constant 0 : i32
      %swap3A_492 = arith.index_cast %swap3A : i32 to index
      %swap3A_493 = arith.index_cast %swap3A_491 : i32 to index
      %swap3A_494 = arith.index_cast %mul3A_490 : i32 to index
      %swap3A_495 = tpu.vector_load %arg7[%swap3A_492, %swap3A_493, %swap3A_494] {strides = array<i32>} : memref<1x20x1000xf32, #tpu.memory_space<vmem>>, vector<16xf32>,
      tpu.vector_store %arg7[%swap3A_492, %swap3A_493, %swap3A_494], %get3A_6 {strides = array<i32>} : memref<1x20x1000xf32, #tpu.memory_space<vmem>>, vector<16xf32>,
    }
    %scan3A_12 = arith.constant 62 : i32
    %broadcast_in_dim3A_13 = arith.constant 0 : i32
    %broadcast_in_dim3A_14 = vector.broadcast %broadcast_in_dim3A_13 : i32 to vector<16xi32>
    %add3A_15 = arith.constant 984 : i32
    %add3A_16 = vector.broadcast %add3A_15 : i32 to vector<16xi32>
    %add3A_17 = arith.addi %add3A_16, %iota3A : vector<16xi32>
    tpu.vector_store_idx %arg7[%broadcast_in_dim3A_5, %broadcast_in_dim3A_14, %add3A_17], %get3A_6 : memref<1x20x1000xf32, #tpu.memory_space<vmem>>[vector<16xi32>, vector<16xi32>, vector<16xi32>], vector<16xf32>,
    %scan3A_18 = arith.constant 0 : i32
    %scan3A_19 = arith.constant 62 : i32
    %scan3A_20 = arith.addi %scan3A_18, %scan3A_19 : i32
    %scan3A_21 = arith.constant 1 : i32
    scf.for %scan3A_488 = %scan3A_18 to %scan3A_20 step %scan3A_21  : i32 {
      %mul3A_489 = arith.constant 16 : i32
      %mul3A_490 = arith.muli %scan3A_488, %mul3A_489 : i32
      %swap3A = arith.constant 0 : i32
      %swap3A_491 = arith.constant 1 : i32
      %swap3A_492 = arith.index_cast %swap3A : i32 to index
      %swap3A_493 = arith.index_cast %swap3A_491 : i32 to index
      %swap3A_494 = arith.index_cast %mul3A_490 : i32 to index
      %swap3A_495 = tpu.vector_load %arg7[%swap3A_492, %swap3A_493, %swap3A_494] {strides = array<i32>} : memref<1x20x1000xf32, #tpu.memory_space<vmem>>, vector<16xf32>,
      tpu.vector_store %arg7[%swap3A_492, %swap3A_493, %swap3A_494], %get3A_6 {strides = array<i32>} : memref<1x20x1000xf32, #tpu.memory_space<vmem>>, vector<16xf32>,
    }
    %scan3A_22 = arith.constant 62 : i32
    %broadcast_in_dim3A_23 = arith.constant 1 : i32
    %broadcast_in_dim3A_24 = vector.broadcast %broadcast_in_dim3A_23 : i32 to vector<16xi32>
    %add3A_25 = arith.constant 984 : i32
    %add3A_26 = vector.broadcast %add3A_25 : i32 to vector<16xi32>
    %add3A_27 = arith.addi %add3A_26, %iota3A : vector<16xi32>
    tpu.vector_store_idx %arg7[%broadcast_in_dim3A_5, %broadcast_in_dim3A_24, %add3A_27], %get3A_6 : memref<1x20x1000xf32, #tpu.memory_space<vmem>>[vector<16xi32>, vector<16xi32>, vector<16xi32>], vector<16xf32>,
    %scan3A_28 = arith.constant 0 : i32
    %scan3A_29 = arith.constant 62 : i32
    %scan3A_30 = arith.addi %scan3A_28, %scan3A_29 : i32
    %scan3A_31 = arith.constant 1 : i32
    scf.for %scan3A_488 = %scan3A_28 to %scan3A_30 step %scan3A_31  : i32 {
      %mul3A_489 = arith.constant 16 : i32
      %mul3A_490 = arith.muli %scan3A_488, %mul3A_489 : i32
      %swap3A = arith.constant 0 : i32
      %swap3A_491 = arith.constant 2 : i32
      %swap3A_492 = arith.index_cast %swap3A : i32 to index
      %swap3A_493 = arith.index_cast %swap3A_491 : i32 to index
      %swap3A_494 = arith.index_cast %mul3A_490 : i32 to index
      %swap3A_495 = tpu.vector_load %arg7[%swap3A_492, %swap3A_493, %swap3A_494] {strides = array<i32>} : memref<1x20x1000xf32, #tpu.memory_space<vmem>>, vector<16xf32>,
      tpu.vector_store %arg7[%swap3A_492, %swap3A_493, %swap3A_494], %get3A_6 {strides = array<i32>} : memref<1x20x1000xf32, #tpu.memory_space<vmem>>, vector<16xf32>,
    }
    %scan3A_32 = arith.constant 62 : i32
    %broadcast_in_dim3A_33 = arith.constant 2 : i32
    %broadcast_in_dim3A_34 = vector.broadcast %broadcast_in_dim3A_33 : i32 to vector<16xi32>
    %add3A_35 = arith.constant 984 : i32
    %add3A_36 = vector.broadcast %add3A_35 : i32 to vector<16xi32>
    %add3A_37 = arith.addi %add3A_36, %iota3A : vector<16xi32>
    tpu.vector_store_idx %arg7[%broadcast_in_dim3A_5, %broadcast_in_dim3A_34, %add3A_37], %get3A_6 : memref<1x20x1000xf32, #tpu.memory_space<vmem>>[vector<16xi32>, vector<16xi32>, vector<16xi32>], vector<16xf32>,
    %scan3A_38 = arith.constant 0 : i32
    %scan3A_39 = arith.constant 62 : i32
    %scan3A_40 = arith.addi %scan3A_38, %scan3A_39 : i32
    %scan3A_41 = arith.constant 1 : i32
    scf.for %scan3A_488 = %scan3A_38 to %scan3A_40 step %scan3A_41  : i32 {
      %mul3A_489 = arith.constant 16 : i32
      %mul3A_490 = arith.muli %scan3A_488, %mul3A_489 : i32
      %swap3A = arith.constant 0 : i32
      %swap3A_491 = arith.constant 3 : i32
      %swap3A_492 = arith.index_cast %swap3A : i32 to index
      %swap3A_493 = arith.index_cast %swap3A_491 : i32 to index
      %swap3A_494 = arith.index_cast %mul3A_490 : i32 to index
      %swap3A_495 = tpu.vector_load %arg7[%swap3A_492, %swap3A_493, %swap3A_494] {strides = array<i32>} : memref<1x20x1000xf32, #tpu.memory_space<vmem>>, vector<16xf32>,
      tpu.vector_store %arg7[%swap3A_492, %swap3A_493, %swap3A_494], %get3A_6 {strides = array<i32>} : memref<1x20x1000xf32, #tpu.memory_space<vmem>>, vector<16xf32>,
    }
    %scan3A_42 = arith.constant 62 : i32
    %broadcast_in_dim3A_43 = arith.constant 3 : i32
    %broadcast_in_dim3A_44 = vector.broadcast %broadcast_in_dim3A_43 : i32 to vector<16xi32>
    %add3A_45 = arith.constant 984 : i32
    %add3A_46 = vector.broadcast %add3A_45 : i32 to vector<16xi32>
    %add3A_47 = arith.addi %add3A_46, %iota3A : vector<16xi32>
    tpu.vector_store_idx %arg7[%broadcast_in_dim3A_5, %broadcast_in_dim3A_44, %add3A_47], %get3A_6 : memref<1x20x1000xf32, #tpu.memory_space<vmem>>[vector<16xi32>, vector<16xi32>, vector<16xi32>], vector<16xf32>,
    %scan3A_48 = arith.constant 0 : i32
    %scan3A_49 = arith.constant 62 : i32
    %scan3A_50 = arith.addi %scan3A_48, %scan3A_49 : i32
    %scan3A_51 = arith.constant 1 : i32
    scf.for %scan3A_488 = %scan3A_48 to %scan3A_50 step %scan3A_51  : i32 {
      %mul3A_489 = arith.constant 16 : i32
      %mul3A_490 = arith.muli %scan3A_488, %mul3A_489 : i32
      %swap3A = arith.constant 0 : i32
      %swap3A_491 = arith.constant 4 : i32
      %swap3A_492 = arith.index_cast %swap3A : i32 to index
      %swap3A_493 = arith.index_cast %swap3A_491 : i32 to index
      %swap3A_494 = arith.index_cast %mul3A_490 : i32 to index
      %swap3A_495 = tpu.vector_load %arg7[%swap3A_492, %swap3A_493, %swap3A_494] {strides = array<i32>} : memref<1x20x1000xf32, #tpu.memory_space<vmem>>, vector<16xf32>,
      tpu.vector_store %arg7[%swap3A_492, %swap3A_493, %swap3A_494], %get3A_6 {strides = array<i32>} : memref<1x20x1000xf32, #tpu.memory_space<vmem>>, vector<16xf32>,
    }
    %scan3A_52 = arith.constant 62 : i32
    %broadcast_in_dim3A_53 = arith.constant 4 : i32
    %broadcast_in_dim3A_54 = vector.broadcast %broadcast_in_dim3A_53 : i32 to vector<16xi32>
    %add3A_55 = arith.constant 984 : i32
    %add3A_56 = vector.broadcast %add3A_55 : i32 to vector<16xi32>
    %add3A_57 = arith.addi %add3A_56, %iota3A : vector<16xi32>
    tpu.vector_store_idx %arg7[%broadcast_in_dim3A_5, %broadcast_in_dim3A_54, %add3A_57], %get3A_6 : memref<1x20x1000xf32, #tpu.memory_space<vmem>>[vector<16xi32>, vector<16xi32>, vector<16xi32>], vector<16xf32>,
    %scan3A_58 = arith.constant 0 : i32
    %scan3A_59 = arith.constant 62 : i32
    %scan3A_60 = arith.addi %scan3A_58, %scan3A_59 : i32
    %scan3A_61 = arith.constant 1 : i32
    scf.for %scan3A_488 = %scan3A_58 to %scan3A_60 step %scan3A_61  : i32 {
      %mul3A_489 = arith.constant 16 : i32
      %mul3A_490 = arith.muli %scan3A_488, %mul3A_489 : i32
      %swap3A = arith.constant 0 : i32
      %swap3A_491 = arith.constant 5 : i32
      %swap3A_492 = arith.index_cast %swap3A : i32 to index
      %swap3A_493 = arith.index_cast %swap3A_491 : i32 to index
      %swap3A_494 = arith.index_cast %mul3A_490 : i32 to index
      %swap3A_495 = tpu.vector_load %arg7[%swap3A_492, %swap3A_493, %swap3A_494] {strides = array<i32>} : memref<1x20x1000xf32, #tpu.memory_space<vmem>>, vector<16xf32>,
      tpu.vector_store %arg7[%swap3A_492, %swap3A_493, %swap3A_494], %get3A_6 {strides = array<i32>} : memref<1x20x1000xf32, #tpu.memory_space<vmem>>, vector<16xf32>,
    }
    %scan3A_62 = arith.constant 62 : i32
    %broadcast_in_dim3A_63 = arith.constant 5 : i32
    %broadcast_in_dim3A_64 = vector.broadcast %broadcast_in_dim3A_63 : i32 to vector<16xi32>
    %add3A_65 = arith.constant 984 : i32
    %add3A_66 = vector.broadcast %add3A_65 : i32 to vector<16xi32>
    %add3A_67 = arith.addi %add3A_66, %iota3A : vector<16xi32>
    tpu.vector_store_idx %arg7[%broadcast_in_dim3A_5, %broadcast_in_dim3A_64, %add3A_67], %get3A_6 : memref<1x20x1000xf32, #tpu.memory_space<vmem>>[vector<16xi32>, vector<16xi32>, vector<16xi32>], vector<16xf32>,
    %scan3A_68 = arith.constant 0 : i32
    %scan3A_69 = arith.constant 62 : i32
    %scan3A_70 = arith.addi %scan3A_68, %scan3A_69 : i32
    %scan3A_71 = arith.constant 1 : i32
    scf.for %scan3A_488 = %scan3A_68 to %scan3A_70 step %scan3A_71  : i32 {
      %mul3A_489 = arith.constant 16 : i32
      %mul3A_490 = arith.muli %scan3A_488, %mul3A_489 : i32
      %swap3A = arith.constant 0 : i32
      %swap3A_491 = arith.constant 6 : i32
      %swap3A_492 = arith.index_cast %swap3A : i32 to index
      %swap3A_493 = arith.index_cast %swap3A_491 : i32 to index
      %swap3A_494 = arith.index_cast %mul3A_490 : i32 to index
      %swap3A_495 = tpu.vector_load %arg7[%swap3A_492, %swap3A_493, %swap3A_494] {strides = array<i32>} : memref<1x20x1000xf32, #tpu.memory_space<vmem>>, vector<16xf32>,
      tpu.vector_store %arg7[%swap3A_492, %swap3A_493, %swap3A_494], %get3A_6 {strides = array<i32>} : memref<1x20x1000xf32, #tpu.memory_space<vmem>>, vector<16xf32>,
    }
    %scan3A_72 = arith.constant 62 : i32
    %broadcast_in_dim3A_73 = arith.constant 6 : i32
    %broadcast_in_dim3A_74 = vector.broadcast %broadcast_in_dim3A_73 : i32 to vector<16xi32>
    %add3A_75 = arith.constant 984 : i32
    %add3A_76 = vector.broadcast %add3A_75 : i32 to vector<16xi32>
    %add3A_77 = arith.addi %add3A_76, %iota3A : vector<16xi32>
    tpu.vector_store_idx %arg7[%broadcast_in_dim3A_5, %broadcast_in_dim3A_74, %add3A_77], %get3A_6 : memref<1x20x1000xf32, #tpu.memory_space<vmem>>[vector<16xi32>, vector<16xi32>, vector<16xi32>], vector<16xf32>,
    %scan3A_78 = arith.constant 0 : i32
    %scan3A_79 = arith.constant 62 : i32
    %scan3A_80 = arith.addi %scan3A_78, %scan3A_79 : i32
    %scan3A_81 = arith.constant 1 : i32
    scf.for %scan3A_488 = %scan3A_78 to %scan3A_80 step %scan3A_81  : i32 {
      %mul3A_489 = arith.constant 16 : i32
      %mul3A_490 = arith.muli %scan3A_488, %mul3A_489 : i32
      %swap3A = arith.constant 0 : i32
      %swap3A_491 = arith.constant 7 : i32
      %swap3A_492 = arith.index_cast %swap3A : i32 to index
      %swap3A_493 = arith.index_cast %swap3A_491 : i32 to index
      %swap3A_494 = arith.index_cast %mul3A_490 : i32 to index
      %swap3A_495 = tpu.vector_load %arg7[%swap3A_492, %swap3A_493, %swap3A_494] {strides = array<i32>} : memref<1x20x1000xf32, #tpu.memory_space<vmem>>, vector<16xf32>,
      tpu.vector_store %arg7[%swap3A_492, %swap3A_493, %swap3A_494], %get3A_6 {strides = array<i32>} : memref<1x20x1000xf32, #tpu.memory_space<vmem>>, vector<16xf32>,
    }
    %scan3A_82 = arith.constant 62 : i32
    %broadcast_in_dim3A_83 = arith.constant 7 : i32
    %broadcast_in_dim3A_84 = vector.broadcast %broadcast_in_dim3A_83 : i32 to vector<16xi32>
    %add3A_85 = arith.constant 984 : i32
    %add3A_86 = vector.broadcast %add3A_85 : i32 to vector<16xi32>
    %add3A_87 = arith.addi %add3A_86, %iota3A : vector<16xi32>
    tpu.vector_store_idx %arg7[%broadcast_in_dim3A_5, %broadcast_in_dim3A_84, %add3A_87], %get3A_6 : memref<1x20x1000xf32, #tpu.memory_space<vmem>>[vector<16xi32>, vector<16xi32>, vector<16xi32>], vector<16xf32>,
    %scan3A_88 = arith.constant 0 : i32
    %scan3A_89 = arith.constant 62 : i32
    %scan3A_90 = arith.addi %scan3A_88, %scan3A_89 : i32
    %scan3A_91 = arith.constant 1 : i32
    scf.for %scan3A_488 = %scan3A_88 to %scan3A_90 step %scan3A_91  : i32 {
      %mul3A_489 = arith.constant 16 : i32
      %mul3A_490 = arith.muli %scan3A_488, %mul3A_489 : i32
      %swap3A = arith.constant 0 : i32
      %swap3A_491 = arith.constant 8 : i32
      %swap3A_492 = arith.index_cast %swap3A : i32 to index
      %swap3A_493 = arith.index_cast %swap3A_491 : i32 to index
      %swap3A_494 = arith.index_cast %mul3A_490 : i32 to index
      %swap3A_495 = tpu.vector_load %arg7[%swap3A_492, %swap3A_493, %swap3A_494] {strides = array<i32>} : memref<1x20x1000xf32, #tpu.memory_space<vmem>>, vector<16xf32>,
      tpu.vector_store %arg7[%swap3A_492, %swap3A_493, %swap3A_494], %get3A_6 {strides = array<i32>} : memref<1x20x1000xf32, #tpu.memory_space<vmem>>, vector<16xf32>,
    }
    %scan3A_92 = arith.constant 62 : i32
    %broadcast_in_dim3A_93 = arith.constant 8 : i32
    %broadcast_in_dim3A_94 = vector.broadcast %broadcast_in_dim3A_93 : i32 to vector<16xi32>
    %add3A_95 = arith.constant 984 : i32
    %add3A_96 = vector.broadcast %add3A_95 : i32 to vector<16xi32>
    %add3A_97 = arith.addi %add3A_96, %iota3A : vector<16xi32>
    tpu.vector_store_idx %arg7[%broadcast_in_dim3A_5, %broadcast_in_dim3A_94, %add3A_97], %get3A_6 : memref<1x20x1000xf32, #tpu.memory_space<vmem>>[vector<16xi32>, vector<16xi32>, vector<16xi32>], vector<16xf32>,
    %scan3A_98 = arith.constant 0 : i32
    %scan3A_99 = arith.constant 62 : i32
    %scan3A_100 = arith.addi %scan3A_98, %scan3A_99 : i32
    %scan3A_101 = arith.constant 1 : i32
    scf.for %scan3A_488 = %scan3A_98 to %scan3A_100 step %scan3A_101  : i32 {
      %mul3A_489 = arith.constant 16 : i32
      %mul3A_490 = arith.muli %scan3A_488, %mul3A_489 : i32
      %swap3A = arith.constant 0 : i32
      %swap3A_491 = arith.constant 9 : i32
      %swap3A_492 = arith.index_cast %swap3A : i32 to index
      %swap3A_493 = arith.index_cast %swap3A_491 : i32 to index
      %swap3A_494 = arith.index_cast %mul3A_490 : i32 to index
      %swap3A_495 = tpu.vector_load %arg7[%swap3A_492, %swap3A_493, %swap3A_494] {strides = array<i32>} : memref<1x20x1000xf32, #tpu.memory_space<vmem>>, vector<16xf32>,
      tpu.vector_store %arg7[%swap3A_492, %swap3A_493, %swap3A_494], %get3A_6 {strides = array<i32>} : memref<1x20x1000xf32, #tpu.memory_space<vmem>>, vector<16xf32>,
    }
    %scan3A_102 = arith.constant 62 : i32
    %broadcast_in_dim3A_103 = arith.constant 9 : i32
    %broadcast_in_dim3A_104 = vector.broadcast %broadcast_in_dim3A_103 : i32 to vector<16xi32>
    %add3A_105 = arith.constant 984 : i32
    %add3A_106 = vector.broadcast %add3A_105 : i32 to vector<16xi32>
    %add3A_107 = arith.addi %add3A_106, %iota3A : vector<16xi32>
    tpu.vector_store_idx %arg7[%broadcast_in_dim3A_5, %broadcast_in_dim3A_104, %add3A_107], %get3A_6 : memref<1x20x1000xf32, #tpu.memory_space<vmem>>[vector<16xi32>, vector<16xi32>, vector<16xi32>], vector<16xf32>,
    %scan3A_108 = arith.constant 0 : i32
    %scan3A_109 = arith.constant 62 : i32
    %scan3A_110 = arith.addi %scan3A_108, %scan3A_109 : i32
    %scan3A_111 = arith.constant 1 : i32
    scf.for %scan3A_488 = %scan3A_108 to %scan3A_110 step %scan3A_111  : i32 {
      %mul3A_489 = arith.constant 16 : i32
      %mul3A_490 = arith.muli %scan3A_488, %mul3A_489 : i32
      %swap3A = arith.constant 0 : i32
      %swap3A_491 = arith.constant 10 : i32
      %swap3A_492 = arith.index_cast %swap3A : i32 to index
      %swap3A_493 = arith.index_cast %swap3A_491 : i32 to index
      %swap3A_494 = arith.index_cast %mul3A_490 : i32 to index
      %swap3A_495 = tpu.vector_load %arg7[%swap3A_492, %swap3A_493, %swap3A_494] {strides = array<i32>} : memref<1x20x1000xf32, #tpu.memory_space<vmem>>, vector<16xf32>,
      tpu.vector_store %arg7[%swap3A_492, %swap3A_493, %swap3A_494], %get3A_6 {strides = array<i32>} : memref<1x20x1000xf32, #tpu.memory_space<vmem>>, vector<16xf32>,
    }
    %scan3A_112 = arith.constant 62 : i32
    %broadcast_in_dim3A_113 = arith.constant 10 : i32
    %broadcast_in_dim3A_114 = vector.broadcast %broadcast_in_dim3A_113 : i32 to vector<16xi32>
    %add3A_115 = arith.constant 984 : i32
    %add3A_116 = vector.broadcast %add3A_115 : i32 to vector<16xi32>
    %add3A_117 = arith.addi %add3A_116, %iota3A : vector<16xi32>
    tpu.vector_store_idx %arg7[%broadcast_in_dim3A_5, %broadcast_in_dim3A_114, %add3A_117], %get3A_6 : memref<1x20x1000xf32, #tpu.memory_space<vmem>>[vector<16xi32>, vector<16xi32>, vector<16xi32>], vector<16xf32>,
    %scan3A_118 = arith.constant 0 : i32
    %scan3A_119 = arith.constant 62 : i32
    %scan3A_120 = arith.addi %scan3A_118, %scan3A_119 : i32
    %scan3A_121 = arith.constant 1 : i32
    scf.for %scan3A_488 = %scan3A_118 to %scan3A_120 step %scan3A_121  : i32 {
      %mul3A_489 = arith.constant 16 : i32
      %mul3A_490 = arith.muli %scan3A_488, %mul3A_489 : i32
      %swap3A = arith.constant 0 : i32
      %swap3A_491 = arith.constant 11 : i32
      %swap3A_492 = arith.index_cast %swap3A : i32 to index
      %swap3A_493 = arith.index_cast %swap3A_491 : i32 to index
      %swap3A_494 = arith.index_cast %mul3A_490 : i32 to index
      %swap3A_495 = tpu.vector_load %arg7[%swap3A_492, %swap3A_493, %swap3A_494] {strides = array<i32>} : memref<1x20x1000xf32, #tpu.memory_space<vmem>>, vector<16xf32>,
      tpu.vector_store %arg7[%swap3A_492, %swap3A_493, %swap3A_494], %get3A_6 {strides = array<i32>} : memref<1x20x1000xf32, #tpu.memory_space<vmem>>, vector<16xf32>,
    }
    %scan3A_122 = arith.constant 62 : i32
    %broadcast_in_dim3A_123 = arith.constant 11 : i32
    %broadcast_in_dim3A_124 = vector.broadcast %broadcast_in_dim3A_123 : i32 to vector<16xi32>
    %add3A_125 = arith.constant 984 : i32
    %add3A_126 = vector.broadcast %add3A_125 : i32 to vector<16xi32>
    %add3A_127 = arith.addi %add3A_126, %iota3A : vector<16xi32>
    tpu.vector_store_idx %arg7[%broadcast_in_dim3A_5, %broadcast_in_dim3A_124, %add3A_127], %get3A_6 : memref<1x20x1000xf32, #tpu.memory_space<vmem>>[vector<16xi32>, vector<16xi32>, vector<16xi32>], vector<16xf32>,
    %scan3A_128 = arith.constant 0 : i32
    %scan3A_129 = arith.constant 62 : i32
    %scan3A_130 = arith.addi %scan3A_128, %scan3A_129 : i32
    %scan3A_131 = arith.constant 1 : i32
    scf.for %scan3A_488 = %scan3A_128 to %scan3A_130 step %scan3A_131  : i32 {
      %mul3A_489 = arith.constant 16 : i32
      %mul3A_490 = arith.muli %scan3A_488, %mul3A_489 : i32
      %swap3A = arith.constant 0 : i32
      %swap3A_491 = arith.constant 12 : i32
      %swap3A_492 = arith.index_cast %swap3A : i32 to index
      %swap3A_493 = arith.index_cast %swap3A_491 : i32 to index
      %swap3A_494 = arith.index_cast %mul3A_490 : i32 to index
      %swap3A_495 = tpu.vector_load %arg7[%swap3A_492, %swap3A_493, %swap3A_494] {strides = array<i32>} : memref<1x20x1000xf32, #tpu.memory_space<vmem>>, vector<16xf32>,
      tpu.vector_store %arg7[%swap3A_492, %swap3A_493, %swap3A_494], %get3A_6 {strides = array<i32>} : memref<1x20x1000xf32, #tpu.memory_space<vmem>>, vector<16xf32>,
    }
    %scan3A_132 = arith.constant 62 : i32
    %broadcast_in_dim3A_133 = arith.constant 12 : i32
    %broadcast_in_dim3A_134 = vector.broadcast %broadcast_in_dim3A_133 : i32 to vector<16xi32>
    %add3A_135 = arith.constant 984 : i32
    %add3A_136 = vector.broadcast %add3A_135 : i32 to vector<16xi32>
    %add3A_137 = arith.addi %add3A_136, %iota3A : vector<16xi32>
    tpu.vector_store_idx %arg7[%broadcast_in_dim3A_5, %broadcast_in_dim3A_134, %add3A_137], %get3A_6 : memref<1x20x1000xf32, #tpu.memory_space<vmem>>[vector<16xi32>, vector<16xi32>, vector<16xi32>], vector<16xf32>,
    %scan3A_138 = arith.constant 0 : i32
    %scan3A_139 = arith.constant 62 : i32
    %scan3A_140 = arith.addi %scan3A_138, %scan3A_139 : i32
    %scan3A_141 = arith.constant 1 : i32
    scf.for %scan3A_488 = %scan3A_138 to %scan3A_140 step %scan3A_141  : i32 {
      %mul3A_489 = arith.constant 16 : i32
      %mul3A_490 = arith.muli %scan3A_488, %mul3A_489 : i32
      %swap3A = arith.constant 0 : i32
      %swap3A_491 = arith.constant 13 : i32
      %swap3A_492 = arith.index_cast %swap3A : i32 to index
      %swap3A_493 = arith.index_cast %swap3A_491 : i32 to index
      %swap3A_494 = arith.index_cast %mul3A_490 : i32 to index
      %swap3A_495 = tpu.vector_load %arg7[%swap3A_492, %swap3A_493, %swap3A_494] {strides = array<i32>} : memref<1x20x1000xf32, #tpu.memory_space<vmem>>, vector<16xf32>,
      tpu.vector_store %arg7[%swap3A_492, %swap3A_493, %swap3A_494], %get3A_6 {strides = array<i32>} : memref<1x20x1000xf32, #tpu.memory_space<vmem>>, vector<16xf32>,
    }
    %scan3A_142 = arith.constant 62 : i32
    %broadcast_in_dim3A_143 = arith.constant 13 : i32
    %broadcast_in_dim3A_144 = vector.broadcast %broadcast_in_dim3A_143 : i32 to vector<16xi32>
    %add3A_145 = arith.constant 984 : i32
    %add3A_146 = vector.broadcast %add3A_145 : i32 to vector<16xi32>
    %add3A_147 = arith.addi %add3A_146, %iota3A : vector<16xi32>
    tpu.vector_store_idx %arg7[%broadcast_in_dim3A_5, %broadcast_in_dim3A_144, %add3A_147], %get3A_6 : memref<1x20x1000xf32, #tpu.memory_space<vmem>>[vector<16xi32>, vector<16xi32>, vector<16xi32>], vector<16xf32>,
    %scan3A_148 = arith.constant 0 : i32
    %scan3A_149 = arith.constant 62 : i32
    %scan3A_150 = arith.addi %scan3A_148, %scan3A_149 : i32
    %scan3A_151 = arith.constant 1 : i32
    scf.for %scan3A_488 = %scan3A_148 to %scan3A_150 step %scan3A_151  : i32 {
      %mul3A_489 = arith.constant 16 : i32
      %mul3A_490 = arith.muli %scan3A_488, %mul3A_489 : i32
      %swap3A = arith.constant 0 : i32
      %swap3A_491 = arith.constant 14 : i32
      %swap3A_492 = arith.index_cast %swap3A : i32 to index
      %swap3A_493 = arith.index_cast %swap3A_491 : i32 to index
      %swap3A_494 = arith.index_cast %mul3A_490 : i32 to index
      %swap3A_495 = tpu.vector_load %arg7[%swap3A_492, %swap3A_493, %swap3A_494] {strides = array<i32>} : memref<1x20x1000xf32, #tpu.memory_space<vmem>>, vector<16xf32>,
      tpu.vector_store %arg7[%swap3A_492, %swap3A_493, %swap3A_494], %get3A_6 {strides = array<i32>} : memref<1x20x1000xf32, #tpu.memory_space<vmem>>, vector<16xf32>,
    }
    %scan3A_152 = arith.constant 62 : i32
    %broadcast_in_dim3A_153 = arith.constant 14 : i32
    %broadcast_in_dim3A_154 = vector.broadcast %broadcast_in_dim3A_153 : i32 to vector<16xi32>
    %add3A_155 = arith.constant 984 : i32
    %add3A_156 = vector.broadcast %add3A_155 : i32 to vector<16xi32>
    %add3A_157 = arith.addi %add3A_156, %iota3A : vector<16xi32>
    tpu.vector_store_idx %arg7[%broadcast_in_dim3A_5, %broadcast_in_dim3A_154, %add3A_157], %get3A_6 : memref<1x20x1000xf32, #tpu.memory_space<vmem>>[vector<16xi32>, vector<16xi32>, vector<16xi32>], vector<16xf32>,
    %scan3A_158 = arith.constant 0 : i32
    %scan3A_159 = arith.constant 62 : i32
    %scan3A_160 = arith.addi %scan3A_158, %scan3A_159 : i32
    %scan3A_161 = arith.constant 1 : i32
    scf.for %scan3A_488 = %scan3A_158 to %scan3A_160 step %scan3A_161  : i32 {
      %mul3A_489 = arith.constant 16 : i32
      %mul3A_490 = arith.muli %scan3A_488, %mul3A_489 : i32
      %swap3A = arith.constant 0 : i32
      %swap3A_491 = arith.constant 15 : i32
      %swap3A_492 = arith.index_cast %swap3A : i32 to index
      %swap3A_493 = arith.index_cast %swap3A_491 : i32 to index
      %swap3A_494 = arith.index_cast %mul3A_490 : i32 to index
      %swap3A_495 = tpu.vector_load %arg7[%swap3A_492, %swap3A_493, %swap3A_494] {strides = array<i32>} : memref<1x20x1000xf32, #tpu.memory_space<vmem>>, vector<16xf32>,
      tpu.vector_store %arg7[%swap3A_492, %swap3A_493, %swap3A_494], %get3A_6 {strides = array<i32>} : memref<1x20x1000xf32, #tpu.memory_space<vmem>>, vector<16xf32>,
    }
    %scan3A_162 = arith.constant 62 : i32
    %broadcast_in_dim3A_163 = arith.constant 15 : i32
    %broadcast_in_dim3A_164 = vector.broadcast %broadcast_in_dim3A_163 : i32 to vector<16xi32>
    %add3A_165 = arith.constant 984 : i32
    %add3A_166 = vector.broadcast %add3A_165 : i32 to vector<16xi32>
    %add3A_167 = arith.addi %add3A_166, %iota3A : vector<16xi32>
    tpu.vector_store_idx %arg7[%broadcast_in_dim3A_5, %broadcast_in_dim3A_164, %add3A_167], %get3A_6 : memref<1x20x1000xf32, #tpu.memory_space<vmem>>[vector<16xi32>, vector<16xi32>, vector<16xi32>], vector<16xf32>,
    %scan3A_168 = arith.constant 0 : i32
    %scan3A_169 = arith.constant 62 : i32
    %scan3A_170 = arith.addi %scan3A_168, %scan3A_169 : i32
    %scan3A_171 = arith.constant 1 : i32
    scf.for %scan3A_488 = %scan3A_168 to %scan3A_170 step %scan3A_171  : i32 {
      %mul3A_489 = arith.constant 16 : i32
      %mul3A_490 = arith.muli %scan3A_488, %mul3A_489 : i32
      %swap3A = arith.constant 0 : i32
      %swap3A_491 = arith.constant 16 : i32
      %swap3A_492 = arith.index_cast %swap3A : i32 to index
      %swap3A_493 = arith.index_cast %swap3A_491 : i32 to index
      %swap3A_494 = arith.index_cast %mul3A_490 : i32 to index
      %swap3A_495 = tpu.vector_load %arg7[%swap3A_492, %swap3A_493, %swap3A_494] {strides = array<i32>} : memref<1x20x1000xf32, #tpu.memory_space<vmem>>, vector<16xf32>,
      tpu.vector_store %arg7[%swap3A_492, %swap3A_493, %swap3A_494], %get3A_6 {strides = array<i32>} : memref<1x20x1000xf32, #tpu.memory_space<vmem>>, vector<16xf32>,
    }
    %scan3A_172 = arith.constant 62 : i32
    %broadcast_in_dim3A_173 = arith.constant 16 : i32
    %broadcast_in_dim3A_174 = vector.broadcast %broadcast_in_dim3A_173 : i32 to vector<16xi32>
    %add3A_175 = arith.constant 984 : i32
    %add3A_176 = vector.broadcast %add3A_175 : i32 to vector<16xi32>
    %add3A_177 = arith.addi %add3A_176, %iota3A : vector<16xi32>
    tpu.vector_store_idx %arg7[%broadcast_in_dim3A_5, %broadcast_in_dim3A_174, %add3A_177], %get3A_6 : memref<1x20x1000xf32, #tpu.memory_space<vmem>>[vector<16xi32>, vector<16xi32>, vector<16xi32>], vector<16xf32>,
    %scan3A_178 = arith.constant 0 : i32
    %scan3A_179 = arith.constant 62 : i32
    %scan3A_180 = arith.addi %scan3A_178, %scan3A_179 : i32
    %scan3A_181 = arith.constant 1 : i32
    scf.for %scan3A_488 = %scan3A_178 to %scan3A_180 step %scan3A_181  : i32 {
      %mul3A_489 = arith.constant 16 : i32
      %mul3A_490 = arith.muli %scan3A_488, %mul3A_489 : i32
      %swap3A = arith.constant 0 : i32
      %swap3A_491 = arith.constant 17 : i32
      %swap3A_492 = arith.index_cast %swap3A : i32 to index
      %swap3A_493 = arith.index_cast %swap3A_491 : i32 to index
      %swap3A_494 = arith.index_cast %mul3A_490 : i32 to index
      %swap3A_495 = tpu.vector_load %arg7[%swap3A_492, %swap3A_493, %swap3A_494] {strides = array<i32>} : memref<1x20x1000xf32, #tpu.memory_space<vmem>>, vector<16xf32>,
      tpu.vector_store %arg7[%swap3A_492, %swap3A_493, %swap3A_494], %get3A_6 {strides = array<i32>} : memref<1x20x1000xf32, #tpu.memory_space<vmem>>, vector<16xf32>,
    }
    %scan3A_182 = arith.constant 62 : i32
    %broadcast_in_dim3A_183 = arith.constant 17 : i32
    %broadcast_in_dim3A_184 = vector.broadcast %broadcast_in_dim3A_183 : i32 to vector<16xi32>
    %add3A_185 = arith.constant 984 : i32
    %add3A_186 = vector.broadcast %add3A_185 : i32 to vector<16xi32>
    %add3A_187 = arith.addi %add3A_186, %iota3A : vector<16xi32>
    tpu.vector_store_idx %arg7[%broadcast_in_dim3A_5, %broadcast_in_dim3A_184, %add3A_187], %get3A_6 : memref<1x20x1000xf32, #tpu.memory_space<vmem>>[vector<16xi32>, vector<16xi32>, vector<16xi32>], vector<16xf32>,
    %scan3A_188 = arith.constant 0 : i32
    %scan3A_189 = arith.constant 62 : i32
    %scan3A_190 = arith.addi %scan3A_188, %scan3A_189 : i32
    %scan3A_191 = arith.constant 1 : i32
    scf.for %scan3A_488 = %scan3A_188 to %scan3A_190 step %scan3A_191  : i32 {
      %mul3A_489 = arith.constant 16 : i32
      %mul3A_490 = arith.muli %scan3A_488, %mul3A_489 : i32
      %swap3A = arith.constant 0 : i32
      %swap3A_491 = arith.constant 18 : i32
      %swap3A_492 = arith.index_cast %swap3A : i32 to index
      %swap3A_493 = arith.index_cast %swap3A_491 : i32 to index
      %swap3A_494 = arith.index_cast %mul3A_490 : i32 to index
      %swap3A_495 = tpu.vector_load %arg7[%swap3A_492, %swap3A_493, %swap3A_494] {strides = array<i32>} : memref<1x20x1000xf32, #tpu.memory_space<vmem>>, vector<16xf32>,
      tpu.vector_store %arg7[%swap3A_492, %swap3A_493, %swap3A_494], %get3A_6 {strides = array<i32>} : memref<1x20x1000xf32, #tpu.memory_space<vmem>>, vector<16xf32>,
    }
    %scan3A_192 = arith.constant 62 : i32
    %broadcast_in_dim3A_193 = arith.constant 18 : i32
    %broadcast_in_dim3A_194 = vector.broadcast %broadcast_in_dim3A_193 : i32 to vector<16xi32>
    %add3A_195 = arith.constant 984 : i32
    %add3A_196 = vector.broadcast %add3A_195 : i32 to vector<16xi32>
    %add3A_197 = arith.addi %add3A_196, %iota3A : vector<16xi32>
    tpu.vector_store_idx %arg7[%broadcast_in_dim3A_5, %broadcast_in_dim3A_194, %add3A_197], %get3A_6 : memref<1x20x1000xf32, #tpu.memory_space<vmem>>[vector<16xi32>, vector<16xi32>, vector<16xi32>], vector<16xf32>,
    %scan3A_198 = arith.constant 0 : i32
    %scan3A_199 = arith.constant 62 : i32
    %scan3A_200 = arith.addi %scan3A_198, %scan3A_199 : i32
    %scan3A_201 = arith.constant 1 : i32
    scf.for %scan3A_488 = %scan3A_198 to %scan3A_200 step %scan3A_201  : i32 {
      %mul3A_489 = arith.constant 16 : i32
      %mul3A_490 = arith.muli %scan3A_488, %mul3A_489 : i32
      %swap3A = arith.constant 0 : i32
      %swap3A_491 = arith.constant 19 : i32
      %swap3A_492 = arith.index_cast %swap3A : i32 to index
      %swap3A_493 = arith.index_cast %swap3A_491 : i32 to index
      %swap3A_494 = arith.index_cast %mul3A_490 : i32 to index
      %swap3A_495 = tpu.vector_load %arg7[%swap3A_492, %swap3A_493, %swap3A_494] {strides = array<i32>} : memref<1x20x1000xf32, #tpu.memory_space<vmem>>, vector<16xf32>,
      tpu.vector_store %arg7[%swap3A_492, %swap3A_493, %swap3A_494], %get3A_6 {strides = array<i32>} : memref<1x20x1000xf32, #tpu.memory_space<vmem>>, vector<16xf32>,
    }
    %scan3A_202 = arith.constant 62 : i32
    %broadcast_in_dim3A_203 = arith.constant 19 : i32
    %broadcast_in_dim3A_204 = vector.broadcast %broadcast_in_dim3A_203 : i32 to vector<16xi32>
    %add3A_205 = arith.constant 984 : i32
    %add3A_206 = vector.broadcast %add3A_205 : i32 to vector<16xi32>
    %add3A_207 = arith.addi %add3A_206, %iota3A : vector<16xi32>
    tpu.vector_store_idx %arg7[%broadcast_in_dim3A_5, %broadcast_in_dim3A_204, %add3A_207], %get3A_6 : memref<1x20x1000xf32, #tpu.memory_space<vmem>>[vector<16xi32>, vector<16xi32>, vector<16xi32>], vector<16xf32>,
    %scan3A_208 = arith.constant 0 : i32
    %scan3A_209 = arith.constant 62 : i32
    %scan3A_210 = arith.addi %scan3A_208, %scan3A_209 : i32
    %scan3A_211 = arith.constant 1 : i32
    scf.for %scan3A_488 = %scan3A_208 to %scan3A_210 step %scan3A_211  : i32 {
      %mul3A_489 = arith.constant 16 : i32
      %mul3A_490 = arith.muli %scan3A_488, %mul3A_489 : i32
      %swap3A = arith.constant 0 : i32
      %swap3A_491 = arith.constant 0 : i32
      %swap3A_492 = arith.index_cast %swap3A : i32 to index
      %swap3A_493 = arith.index_cast %swap3A_491 : i32 to index
      %swap3A_494 = arith.index_cast %mul3A_490 : i32 to index
      %swap3A_495 = tpu.vector_load %arg8[%swap3A_492, %swap3A_493, %swap3A_494] {strides = array<i32>} : memref<1x20x1000xf32, #tpu.memory_space<vmem>>, vector<16xf32>,
      tpu.vector_store %arg8[%swap3A_492, %swap3A_493, %swap3A_494], %get3A_6 {strides = array<i32>} : memref<1x20x1000xf32, #tpu.memory_space<vmem>>, vector<16xf32>,
    }
    %scan3A_212 = arith.constant 62 : i32
    %broadcast_in_dim3A_213 = arith.constant 0 : i32
    %broadcast_in_dim3A_214 = vector.broadcast %broadcast_in_dim3A_213 : i32 to vector<16xi32>
    %add3A_215 = arith.constant 984 : i32
    %add3A_216 = vector.broadcast %add3A_215 : i32 to vector<16xi32>
    %add3A_217 = arith.addi %add3A_216, %iota3A : vector<16xi32>
    tpu.vector_store_idx %arg8[%broadcast_in_dim3A_5, %broadcast_in_dim3A_214, %add3A_217], %get3A_6 : memref<1x20x1000xf32, #tpu.memory_space<vmem>>[vector<16xi32>, vector<16xi32>, vector<16xi32>], vector<16xf32>,
    %scan3A_218 = arith.constant 0 : i32
    %scan3A_219 = arith.constant 62 : i32
    %scan3A_220 = arith.addi %scan3A_218, %scan3A_219 : i32
    %scan3A_221 = arith.constant 1 : i32
    scf.for %scan3A_488 = %scan3A_218 to %scan3A_220 step %scan3A_221  : i32 {
      %mul3A_489 = arith.constant 16 : i32
      %mul3A_490 = arith.muli %scan3A_488, %mul3A_489 : i32
      %swap3A = arith.constant 0 : i32
      %swap3A_491 = arith.constant 1 : i32
      %swap3A_492 = arith.index_cast %swap3A : i32 to index
      %swap3A_493 = arith.index_cast %swap3A_491 : i32 to index
      %swap3A_494 = arith.index_cast %mul3A_490 : i32 to index
      %swap3A_495 = tpu.vector_load %arg8[%swap3A_492, %swap3A_493, %swap3A_494] {strides = array<i32>} : memref<1x20x1000xf32, #tpu.memory_space<vmem>>, vector<16xf32>,
      tpu.vector_store %arg8[%swap3A_492, %swap3A_493, %swap3A_494], %get3A_6 {strides = array<i32>} : memref<1x20x1000xf32, #tpu.memory_space<vmem>>, vector<16xf32>,
    }
    %scan3A_222 = arith.constant 62 : i32
    %broadcast_in_dim3A_223 = arith.constant 1 : i32
    %broadcast_in_dim3A_224 = vector.broadcast %broadcast_in_dim3A_223 : i32 to vector<16xi32>
    %add3A_225 = arith.constant 984 : i32
    %add3A_226 = vector.broadcast %add3A_225 : i32 to vector<16xi32>
    %add3A_227 = arith.addi %add3A_226, %iota3A : vector<16xi32>
    tpu.vector_store_idx %arg8[%broadcast_in_dim3A_5, %broadcast_in_dim3A_224, %add3A_227], %get3A_6 : memref<1x20x1000xf32, #tpu.memory_space<vmem>>[vector<16xi32>, vector<16xi32>, vector<16xi32>], vector<16xf32>,
    %scan3A_228 = arith.constant 0 : i32
    %scan3A_229 = arith.constant 62 : i32
    %scan3A_230 = arith.addi %scan3A_228, %scan3A_229 : i32
    %scan3A_231 = arith.constant 1 : i32
    scf.for %scan3A_488 = %scan3A_228 to %scan3A_230 step %scan3A_231  : i32 {
      %mul3A_489 = arith.constant 16 : i32
      %mul3A_490 = arith.muli %scan3A_488, %mul3A_489 : i32
      %swap3A = arith.constant 0 : i32
      %swap3A_491 = arith.constant 2 : i32
      %swap3A_492 = arith.index_cast %swap3A : i32 to index
      %swap3A_493 = arith.index_cast %swap3A_491 : i32 to index
      %swap3A_494 = arith.index_cast %mul3A_490 : i32 to index
      %swap3A_495 = tpu.vector_load %arg8[%swap3A_492, %swap3A_493, %swap3A_494] {strides = array<i32>} : memref<1x20x1000xf32, #tpu.memory_space<vmem>>, vector<16xf32>,
      tpu.vector_store %arg8[%swap3A_492, %swap3A_493, %swap3A_494], %get3A_6 {strides = array<i32>} : memref<1x20x1000xf32, #tpu.memory_space<vmem>>, vector<16xf32>,
    }
    %scan3A_232 = arith.constant 62 : i32
    %broadcast_in_dim3A_233 = arith.constant 2 : i32
    %broadcast_in_dim3A_234 = vector.broadcast %broadcast_in_dim3A_233 : i32 to vector<16xi32>
    %add3A_235 = arith.constant 984 : i32
    %add3A_236 = vector.broadcast %add3A_235 : i32 to vector<16xi32>
    %add3A_237 = arith.addi %add3A_236, %iota3A : vector<16xi32>
    tpu.vector_store_idx %arg8[%broadcast_in_dim3A_5, %broadcast_in_dim3A_234, %add3A_237], %get3A_6 : memref<1x20x1000xf32, #tpu.memory_space<vmem>>[vector<16xi32>, vector<16xi32>, vector<16xi32>], vector<16xf32>,
    %scan3A_238 = arith.constant 0 : i32
    %scan3A_239 = arith.constant 62 : i32
    %scan3A_240 = arith.addi %scan3A_238, %scan3A_239 : i32
    %scan3A_241 = arith.constant 1 : i32
    scf.for %scan3A_488 = %scan3A_238 to %scan3A_240 step %scan3A_241  : i32 {
      %mul3A_489 = arith.constant 16 : i32
      %mul3A_490 = arith.muli %scan3A_488, %mul3A_489 : i32
      %swap3A = arith.constant 0 : i32
      %swap3A_491 = arith.constant 3 : i32
      %swap3A_492 = arith.index_cast %swap3A : i32 to index
      %swap3A_493 = arith.index_cast %swap3A_491 : i32 to index
      %swap3A_494 = arith.index_cast %mul3A_490 : i32 to index
      %swap3A_495 = tpu.vector_load %arg8[%swap3A_492, %swap3A_493, %swap3A_494] {strides = array<i32>} : memref<1x20x1000xf32, #tpu.memory_space<vmem>>, vector<16xf32>,
      tpu.vector_store %arg8[%swap3A_492, %swap3A_493, %swap3A_494], %get3A_6 {strides = array<i32>} : memref<1x20x1000xf32, #tpu.memory_space<vmem>>, vector<16xf32>,
    }
    %scan3A_242 = arith.constant 62 : i32
    %broadcast_in_dim3A_243 = arith.constant 3 : i32
    %broadcast_in_dim3A_244 = vector.broadcast %broadcast_in_dim3A_243 : i32 to vector<16xi32>
    %add3A_245 = arith.constant 984 : i32
    %add3A_246 = vector.broadcast %add3A_245 : i32 to vector<16xi32>
    %add3A_247 = arith.addi %add3A_246, %iota3A : vector<16xi32>
    tpu.vector_store_idx %arg8[%broadcast_in_dim3A_5, %broadcast_in_dim3A_244, %add3A_247], %get3A_6 : memref<1x20x1000xf32, #tpu.memory_space<vmem>>[vector<16xi32>, vector<16xi32>, vector<16xi32>], vector<16xf32>,
    %scan3A_248 = arith.constant 0 : i32
    %scan3A_249 = arith.constant 62 : i32
    %scan3A_250 = arith.addi %scan3A_248, %scan3A_249 : i32
    %scan3A_251 = arith.constant 1 : i32
    scf.for %scan3A_488 = %scan3A_248 to %scan3A_250 step %scan3A_251  : i32 {
      %mul3A_489 = arith.constant 16 : i32
      %mul3A_490 = arith.muli %scan3A_488, %mul3A_489 : i32
      %swap3A = arith.constant 0 : i32
      %swap3A_491 = arith.constant 4 : i32
      %swap3A_492 = arith.index_cast %swap3A : i32 to index
      %swap3A_493 = arith.index_cast %swap3A_491 : i32 to index
      %swap3A_494 = arith.index_cast %mul3A_490 : i32 to index
      %swap3A_495 = tpu.vector_load %arg8[%swap3A_492, %swap3A_493, %swap3A_494] {strides = array<i32>} : memref<1x20x1000xf32, #tpu.memory_space<vmem>>, vector<16xf32>,
      tpu.vector_store %arg8[%swap3A_492, %swap3A_493, %swap3A_494], %get3A_6 {strides = array<i32>} : memref<1x20x1000xf32, #tpu.memory_space<vmem>>, vector<16xf32>,
    }
    %scan3A_252 = arith.constant 62 : i32
    %broadcast_in_dim3A_253 = arith.constant 4 : i32
    %broadcast_in_dim3A_254 = vector.broadcast %broadcast_in_dim3A_253 : i32 to vector<16xi32>
    %add3A_255 = arith.constant 984 : i32
    %add3A_256 = vector.broadcast %add3A_255 : i32 to vector<16xi32>
    %add3A_257 = arith.addi %add3A_256, %iota3A : vector<16xi32>
    tpu.vector_store_idx %arg8[%broadcast_in_dim3A_5, %broadcast_in_dim3A_254, %add3A_257], %get3A_6 : memref<1x20x1000xf32, #tpu.memory_space<vmem>>[vector<16xi32>, vector<16xi32>, vector<16xi32>], vector<16xf32>,
    %scan3A_258 = arith.constant 0 : i32
    %scan3A_259 = arith.constant 62 : i32
    %scan3A_260 = arith.addi %scan3A_258, %scan3A_259 : i32
    %scan3A_261 = arith.constant 1 : i32
    scf.for %scan3A_488 = %scan3A_258 to %scan3A_260 step %scan3A_261  : i32 {
      %mul3A_489 = arith.constant 16 : i32
      %mul3A_490 = arith.muli %scan3A_488, %mul3A_489 : i32
      %swap3A = arith.constant 0 : i32
      %swap3A_491 = arith.constant 5 : i32
      %swap3A_492 = arith.index_cast %swap3A : i32 to index
      %swap3A_493 = arith.index_cast %swap3A_491 : i32 to index
      %swap3A_494 = arith.index_cast %mul3A_490 : i32 to index
      %swap3A_495 = tpu.vector_load %arg8[%swap3A_492, %swap3A_493, %swap3A_494] {strides = array<i32>} : memref<1x20x1000xf32, #tpu.memory_space<vmem>>, vector<16xf32>,
      tpu.vector_store %arg8[%swap3A_492, %swap3A_493, %swap3A_494], %get3A_6 {strides = array<i32>} : memref<1x20x1000xf32, #tpu.memory_space<vmem>>, vector<16xf32>,
    }
    %scan3A_262 = arith.constant 62 : i32
    %broadcast_in_dim3A_263 = arith.constant 5 : i32
    %broadcast_in_dim3A_264 = vector.broadcast %broadcast_in_dim3A_263 : i32 to vector<16xi32>
    %add3A_265 = arith.constant 984 : i32
    %add3A_266 = vector.broadcast %add3A_265 : i32 to vector<16xi32>
    %add3A_267 = arith.addi %add3A_266, %iota3A : vector<16xi32>
    tpu.vector_store_idx %arg8[%broadcast_in_dim3A_5, %broadcast_in_dim3A_264, %add3A_267], %get3A_6 : memref<1x20x1000xf32, #tpu.memory_space<vmem>>[vector<16xi32>, vector<16xi32>, vector<16xi32>], vector<16xf32>,
    %scan3A_268 = arith.constant 0 : i32
    %scan3A_269 = arith.constant 62 : i32
    %scan3A_270 = arith.addi %scan3A_268, %scan3A_269 : i32
    %scan3A_271 = arith.constant 1 : i32
    scf.for %scan3A_488 = %scan3A_268 to %scan3A_270 step %scan3A_271  : i32 {
      %mul3A_489 = arith.constant 16 : i32
      %mul3A_490 = arith.muli %scan3A_488, %mul3A_489 : i32
      %swap3A = arith.constant 0 : i32
      %swap3A_491 = arith.constant 6 : i32
      %swap3A_492 = arith.index_cast %swap3A : i32 to index
      %swap3A_493 = arith.index_cast %swap3A_491 : i32 to index
      %swap3A_494 = arith.index_cast %mul3A_490 : i32 to index
      %swap3A_495 = tpu.vector_load %arg8[%swap3A_492, %swap3A_493, %swap3A_494] {strides = array<i32>} : memref<1x20x1000xf32, #tpu.memory_space<vmem>>, vector<16xf32>,
      tpu.vector_store %arg8[%swap3A_492, %swap3A_493, %swap3A_494], %get3A_6 {strides = array<i32>} : memref<1x20x1000xf32, #tpu.memory_space<vmem>>, vector<16xf32>,
    }
    %scan3A_272 = arith.constant 62 : i32
    %broadcast_in_dim3A_273 = arith.constant 6 : i32
    %broadcast_in_dim3A_274 = vector.broadcast %broadcast_in_dim3A_273 : i32 to vector<16xi32>
    %add3A_275 = arith.constant 984 : i32
    %add3A_276 = vector.broadcast %add3A_275 : i32 to vector<16xi32>
    %add3A_277 = arith.addi %add3A_276, %iota3A : vector<16xi32>
    tpu.vector_store_idx %arg8[%broadcast_in_dim3A_5, %broadcast_in_dim3A_274, %add3A_277], %get3A_6 : memref<1x20x1000xf32, #tpu.memory_space<vmem>>[vector<16xi32>, vector<16xi32>, vector<16xi32>], vector<16xf32>,
    %scan3A_278 = arith.constant 0 : i32
    %scan3A_279 = arith.constant 62 : i32
    %scan3A_280 = arith.addi %scan3A_278, %scan3A_279 : i32
    %scan3A_281 = arith.constant 1 : i32
    scf.for %scan3A_488 = %scan3A_278 to %scan3A_280 step %scan3A_281  : i32 {
      %mul3A_489 = arith.constant 16 : i32
      %mul3A_490 = arith.muli %scan3A_488, %mul3A_489 : i32
      %swap3A = arith.constant 0 : i32
      %swap3A_491 = arith.constant 7 : i32
      %swap3A_492 = arith.index_cast %swap3A : i32 to index
      %swap3A_493 = arith.index_cast %swap3A_491 : i32 to index
      %swap3A_494 = arith.index_cast %mul3A_490 : i32 to index
      %swap3A_495 = tpu.vector_load %arg8[%swap3A_492, %swap3A_493, %swap3A_494] {strides = array<i32>} : memref<1x20x1000xf32, #tpu.memory_space<vmem>>, vector<16xf32>,
      tpu.vector_store %arg8[%swap3A_492, %swap3A_493, %swap3A_494], %get3A_6 {strides = array<i32>} : memref<1x20x1000xf32, #tpu.memory_space<vmem>>, vector<16xf32>,
    }
    %scan3A_282 = arith.constant 62 : i32
    %broadcast_in_dim3A_283 = arith.constant 7 : i32
    %broadcast_in_dim3A_284 = vector.broadcast %broadcast_in_dim3A_283 : i32 to vector<16xi32>
    %add3A_285 = arith.constant 984 : i32
    %add3A_286 = vector.broadcast %add3A_285 : i32 to vector<16xi32>
    %add3A_287 = arith.addi %add3A_286, %iota3A : vector<16xi32>
    tpu.vector_store_idx %arg8[%broadcast_in_dim3A_5, %broadcast_in_dim3A_284, %add3A_287], %get3A_6 : memref<1x20x1000xf32, #tpu.memory_space<vmem>>[vector<16xi32>, vector<16xi32>, vector<16xi32>], vector<16xf32>,
    %scan3A_288 = arith.constant 0 : i32
    %scan3A_289 = arith.constant 62 : i32
    %scan3A_290 = arith.addi %scan3A_288, %scan3A_289 : i32
    %scan3A_291 = arith.constant 1 : i32
    scf.for %scan3A_488 = %scan3A_288 to %scan3A_290 step %scan3A_291  : i32 {
      %mul3A_489 = arith.constant 16 : i32
      %mul3A_490 = arith.muli %scan3A_488, %mul3A_489 : i32
      %swap3A = arith.constant 0 : i32
      %swap3A_491 = arith.constant 8 : i32
      %swap3A_492 = arith.index_cast %swap3A : i32 to index
      %swap3A_493 = arith.index_cast %swap3A_491 : i32 to index
      %swap3A_494 = arith.index_cast %mul3A_490 : i32 to index
      %swap3A_495 = tpu.vector_load %arg8[%swap3A_492, %swap3A_493, %swap3A_494] {strides = array<i32>} : memref<1x20x1000xf32, #tpu.memory_space<vmem>>, vector<16xf32>,
      tpu.vector_store %arg8[%swap3A_492, %swap3A_493, %swap3A_494], %get3A_6 {strides = array<i32>} : memref<1x20x1000xf32, #tpu.memory_space<vmem>>, vector<16xf32>,
    }
    %scan3A_292 = arith.constant 62 : i32
    %broadcast_in_dim3A_293 = arith.constant 8 : i32
    %broadcast_in_dim3A_294 = vector.broadcast %broadcast_in_dim3A_293 : i32 to vector<16xi32>
    %add3A_295 = arith.constant 984 : i32
    %add3A_296 = vector.broadcast %add3A_295 : i32 to vector<16xi32>
    %add3A_297 = arith.addi %add3A_296, %iota3A : vector<16xi32>
    tpu.vector_store_idx %arg8[%broadcast_in_dim3A_5, %broadcast_in_dim3A_294, %add3A_297], %get3A_6 : memref<1x20x1000xf32, #tpu.memory_space<vmem>>[vector<16xi32>, vector<16xi32>, vector<16xi32>], vector<16xf32>,
    %scan3A_298 = arith.constant 0 : i32
    %scan3A_299 = arith.constant 62 : i32
    %scan3A_300 = arith.addi %scan3A_298, %scan3A_299 : i32
    %scan3A_301 = arith.constant 1 : i32
    scf.for %scan3A_488 = %scan3A_298 to %scan3A_300 step %scan3A_301  : i32 {
      %mul3A_489 = arith.constant 16 : i32
      %mul3A_490 = arith.muli %scan3A_488, %mul3A_489 : i32
      %swap3A = arith.constant 0 : i32
      %swap3A_491 = arith.constant 9 : i32
      %swap3A_492 = arith.index_cast %swap3A : i32 to index
      %swap3A_493 = arith.index_cast %swap3A_491 : i32 to index
      %swap3A_494 = arith.index_cast %mul3A_490 : i32 to index
      %swap3A_495 = tpu.vector_load %arg8[%swap3A_492, %swap3A_493, %swap3A_494] {strides = array<i32>} : memref<1x20x1000xf32, #tpu.memory_space<vmem>>, vector<16xf32>,
      tpu.vector_store %arg8[%swap3A_492, %swap3A_493, %swap3A_494], %get3A_6 {strides = array<i32>} : memref<1x20x1000xf32, #tpu.memory_space<vmem>>, vector<16xf32>,
    }
    %scan3A_302 = arith.constant 62 : i32
    %broadcast_in_dim3A_303 = arith.constant 9 : i32
    %broadcast_in_dim3A_304 = vector.broadcast %broadcast_in_dim3A_303 : i32 to vector<16xi32>
    %add3A_305 = arith.constant 984 : i32
    %add3A_306 = vector.broadcast %add3A_305 : i32 to vector<16xi32>
    %add3A_307 = arith.addi %add3A_306, %iota3A : vector<16xi32>
    tpu.vector_store_idx %arg8[%broadcast_in_dim3A_5, %broadcast_in_dim3A_304, %add3A_307], %get3A_6 : memref<1x20x1000xf32, #tpu.memory_space<vmem>>[vector<16xi32>, vector<16xi32>, vector<16xi32>], vector<16xf32>,
    %scan3A_308 = arith.constant 0 : i32
    %scan3A_309 = arith.constant 62 : i32
    %scan3A_310 = arith.addi %scan3A_308, %scan3A_309 : i32
    %scan3A_311 = arith.constant 1 : i32
    scf.for %scan3A_488 = %scan3A_308 to %scan3A_310 step %scan3A_311  : i32 {
      %mul3A_489 = arith.constant 16 : i32
      %mul3A_490 = arith.muli %scan3A_488, %mul3A_489 : i32
      %swap3A = arith.constant 0 : i32
      %swap3A_491 = arith.constant 10 : i32
      %swap3A_492 = arith.index_cast %swap3A : i32 to index
      %swap3A_493 = arith.index_cast %swap3A_491 : i32 to index
      %swap3A_494 = arith.index_cast %mul3A_490 : i32 to index
      %swap3A_495 = tpu.vector_load %arg8[%swap3A_492, %swap3A_493, %swap3A_494] {strides = array<i32>} : memref<1x20x1000xf32, #tpu.memory_space<vmem>>, vector<16xf32>,
      tpu.vector_store %arg8[%swap3A_492, %swap3A_493, %swap3A_494], %get3A_6 {strides = array<i32>} : memref<1x20x1000xf32, #tpu.memory_space<vmem>>, vector<16xf32>,
    }
    %scan3A_312 = arith.constant 62 : i32
    %broadcast_in_dim3A_313 = arith.constant 10 : i32
    %broadcast_in_dim3A_314 = vector.broadcast %broadcast_in_dim3A_313 : i32 to vector<16xi32>
    %add3A_315 = arith.constant 984 : i32
    %add3A_316 = vector.broadcast %add3A_315 : i32 to vector<16xi32>
    %add3A_317 = arith.addi %add3A_316, %iota3A : vector<16xi32>
    tpu.vector_store_idx %arg8[%broadcast_in_dim3A_5, %broadcast_in_dim3A_314, %add3A_317], %get3A_6 : memref<1x20x1000xf32, #tpu.memory_space<vmem>>[vector<16xi32>, vector<16xi32>, vector<16xi32>], vector<16xf32>,
    %scan3A_318 = arith.constant 0 : i32
    %scan3A_319 = arith.constant 62 : i32
    %scan3A_320 = arith.addi %scan3A_318, %scan3A_319 : i32
    %scan3A_321 = arith.constant 1 : i32
    scf.for %scan3A_488 = %scan3A_318 to %scan3A_320 step %scan3A_321  : i32 {
      %mul3A_489 = arith.constant 16 : i32
      %mul3A_490 = arith.muli %scan3A_488, %mul3A_489 : i32
      %swap3A = arith.constant 0 : i32
      %swap3A_491 = arith.constant 11 : i32
      %swap3A_492 = arith.index_cast %swap3A : i32 to index
      %swap3A_493 = arith.index_cast %swap3A_491 : i32 to index
      %swap3A_494 = arith.index_cast %mul3A_490 : i32 to index
      %swap3A_495 = tpu.vector_load %arg8[%swap3A_492, %swap3A_493, %swap3A_494] {strides = array<i32>} : memref<1x20x1000xf32, #tpu.memory_space<vmem>>, vector<16xf32>,
      tpu.vector_store %arg8[%swap3A_492, %swap3A_493, %swap3A_494], %get3A_6 {strides = array<i32>} : memref<1x20x1000xf32, #tpu.memory_space<vmem>>, vector<16xf32>,
    }
    %scan3A_322 = arith.constant 62 : i32
    %broadcast_in_dim3A_323 = arith.constant 11 : i32
    %broadcast_in_dim3A_324 = vector.broadcast %broadcast_in_dim3A_323 : i32 to vector<16xi32>
    %add3A_325 = arith.constant 984 : i32
    %add3A_326 = vector.broadcast %add3A_325 : i32 to vector<16xi32>
    %add3A_327 = arith.addi %add3A_326, %iota3A : vector<16xi32>
    tpu.vector_store_idx %arg8[%broadcast_in_dim3A_5, %broadcast_in_dim3A_324, %add3A_327], %get3A_6 : memref<1x20x1000xf32, #tpu.memory_space<vmem>>[vector<16xi32>, vector<16xi32>, vector<16xi32>], vector<16xf32>,
    %scan3A_328 = arith.constant 0 : i32
    %scan3A_329 = arith.constant 62 : i32
    %scan3A_330 = arith.addi %scan3A_328, %scan3A_329 : i32
    %scan3A_331 = arith.constant 1 : i32
    scf.for %scan3A_488 = %scan3A_328 to %scan3A_330 step %scan3A_331  : i32 {
      %mul3A_489 = arith.constant 16 : i32
      %mul3A_490 = arith.muli %scan3A_488, %mul3A_489 : i32
      %swap3A = arith.constant 0 : i32
      %swap3A_491 = arith.constant 12 : i32
      %swap3A_492 = arith.index_cast %swap3A : i32 to index
      %swap3A_493 = arith.index_cast %swap3A_491 : i32 to index
      %swap3A_494 = arith.index_cast %mul3A_490 : i32 to index
      %swap3A_495 = tpu.vector_load %arg8[%swap3A_492, %swap3A_493, %swap3A_494] {strides = array<i32>} : memref<1x20x1000xf32, #tpu.memory_space<vmem>>, vector<16xf32>,
      tpu.vector_store %arg8[%swap3A_492, %swap3A_493, %swap3A_494], %get3A_6 {strides = array<i32>} : memref<1x20x1000xf32, #tpu.memory_space<vmem>>, vector<16xf32>,
    }
    %scan3A_332 = arith.constant 62 : i32
    %broadcast_in_dim3A_333 = arith.constant 12 : i32
    %broadcast_in_dim3A_334 = vector.broadcast %broadcast_in_dim3A_333 : i32 to vector<16xi32>
    %add3A_335 = arith.constant 984 : i32
    %add3A_336 = vector.broadcast %add3A_335 : i32 to vector<16xi32>
    %add3A_337 = arith.addi %add3A_336, %iota3A : vector<16xi32>
    tpu.vector_store_idx %arg8[%broadcast_in_dim3A_5, %broadcast_in_dim3A_334, %add3A_337], %get3A_6 : memref<1x20x1000xf32, #tpu.memory_space<vmem>>[vector<16xi32>, vector<16xi32>, vector<16xi32>], vector<16xf32>,
    %scan3A_338 = arith.constant 0 : i32
    %scan3A_339 = arith.constant 62 : i32
    %scan3A_340 = arith.addi %scan3A_338, %scan3A_339 : i32
    %scan3A_341 = arith.constant 1 : i32
    scf.for %scan3A_488 = %scan3A_338 to %scan3A_340 step %scan3A_341  : i32 {
      %mul3A_489 = arith.constant 16 : i32
      %mul3A_490 = arith.muli %scan3A_488, %mul3A_489 : i32
      %swap3A = arith.constant 0 : i32
      %swap3A_491 = arith.constant 13 : i32
      %swap3A_492 = arith.index_cast %swap3A : i32 to index
      %swap3A_493 = arith.index_cast %swap3A_491 : i32 to index
      %swap3A_494 = arith.index_cast %mul3A_490 : i32 to index
      %swap3A_495 = tpu.vector_load %arg8[%swap3A_492, %swap3A_493, %swap3A_494] {strides = array<i32>} : memref<1x20x1000xf32, #tpu.memory_space<vmem>>, vector<16xf32>,
      tpu.vector_store %arg8[%swap3A_492, %swap3A_493, %swap3A_494], %get3A_6 {strides = array<i32>} : memref<1x20x1000xf32, #tpu.memory_space<vmem>>, vector<16xf32>,
    }
    %scan3A_342 = arith.constant 62 : i32
    %broadcast_in_dim3A_343 = arith.constant 13 : i32
    %broadcast_in_dim3A_344 = vector.broadcast %broadcast_in_dim3A_343 : i32 to vector<16xi32>
    %add3A_345 = arith.constant 984 : i32
    %add3A_346 = vector.broadcast %add3A_345 : i32 to vector<16xi32>
    %add3A_347 = arith.addi %add3A_346, %iota3A : vector<16xi32>
    tpu.vector_store_idx %arg8[%broadcast_in_dim3A_5, %broadcast_in_dim3A_344, %add3A_347], %get3A_6 : memref<1x20x1000xf32, #tpu.memory_space<vmem>>[vector<16xi32>, vector<16xi32>, vector<16xi32>], vector<16xf32>,
    %scan3A_348 = arith.constant 0 : i32
    %scan3A_349 = arith.constant 62 : i32
    %scan3A_350 = arith.addi %scan3A_348, %scan3A_349 : i32
    %scan3A_351 = arith.constant 1 : i32
    scf.for %scan3A_488 = %scan3A_348 to %scan3A_350 step %scan3A_351  : i32 {
      %mul3A_489 = arith.constant 16 : i32
      %mul3A_490 = arith.muli %scan3A_488, %mul3A_489 : i32
      %swap3A = arith.constant 0 : i32
      %swap3A_491 = arith.constant 14 : i32
      %swap3A_492 = arith.index_cast %swap3A : i32 to index
      %swap3A_493 = arith.index_cast %swap3A_491 : i32 to index
      %swap3A_494 = arith.index_cast %mul3A_490 : i32 to index
      %swap3A_495 = tpu.vector_load %arg8[%swap3A_492, %swap3A_493, %swap3A_494] {strides = array<i32>} : memref<1x20x1000xf32, #tpu.memory_space<vmem>>, vector<16xf32>,
      tpu.vector_store %arg8[%swap3A_492, %swap3A_493, %swap3A_494], %get3A_6 {strides = array<i32>} : memref<1x20x1000xf32, #tpu.memory_space<vmem>>, vector<16xf32>,
    }
    %scan3A_352 = arith.constant 62 : i32
    %broadcast_in_dim3A_353 = arith.constant 14 : i32
    %broadcast_in_dim3A_354 = vector.broadcast %broadcast_in_dim3A_353 : i32 to vector<16xi32>
    %add3A_355 = arith.constant 984 : i32
    %add3A_356 = vector.broadcast %add3A_355 : i32 to vector<16xi32>
    %add3A_357 = arith.addi %add3A_356, %iota3A : vector<16xi32>
    tpu.vector_store_idx %arg8[%broadcast_in_dim3A_5, %broadcast_in_dim3A_354, %add3A_357], %get3A_6 : memref<1x20x1000xf32, #tpu.memory_space<vmem>>[vector<16xi32>, vector<16xi32>, vector<16xi32>], vector<16xf32>,
    %scan3A_358 = arith.constant 0 : i32
    %scan3A_359 = arith.constant 62 : i32
    %scan3A_360 = arith.addi %scan3A_358, %scan3A_359 : i32
    %scan3A_361 = arith.constant 1 : i32
    scf.for %scan3A_488 = %scan3A_358 to %scan3A_360 step %scan3A_361  : i32 {
      %mul3A_489 = arith.constant 16 : i32
      %mul3A_490 = arith.muli %scan3A_488, %mul3A_489 : i32
      %swap3A = arith.constant 0 : i32
      %swap3A_491 = arith.constant 15 : i32
      %swap3A_492 = arith.index_cast %swap3A : i32 to index
      %swap3A_493 = arith.index_cast %swap3A_491 : i32 to index
      %swap3A_494 = arith.index_cast %mul3A_490 : i32 to index
      %swap3A_495 = tpu.vector_load %arg8[%swap3A_492, %swap3A_493, %swap3A_494] {strides = array<i32>} : memref<1x20x1000xf32, #tpu.memory_space<vmem>>, vector<16xf32>,
      tpu.vector_store %arg8[%swap3A_492, %swap3A_493, %swap3A_494], %get3A_6 {strides = array<i32>} : memref<1x20x1000xf32, #tpu.memory_space<vmem>>, vector<16xf32>,
    }
    %scan3A_362 = arith.constant 62 : i32
    %broadcast_in_dim3A_363 = arith.constant 15 : i32
    %broadcast_in_dim3A_364 = vector.broadcast %broadcast_in_dim3A_363 : i32 to vector<16xi32>
    %add3A_365 = arith.constant 984 : i32
    %add3A_366 = vector.broadcast %add3A_365 : i32 to vector<16xi32>
    %add3A_367 = arith.addi %add3A_366, %iota3A : vector<16xi32>
    tpu.vector_store_idx %arg8[%broadcast_in_dim3A_5, %broadcast_in_dim3A_364, %add3A_367], %get3A_6 : memref<1x20x1000xf32, #tpu.memory_space<vmem>>[vector<16xi32>, vector<16xi32>, vector<16xi32>], vector<16xf32>,
    %scan3A_368 = arith.constant 0 : i32
    %scan3A_369 = arith.constant 62 : i32
    %scan3A_370 = arith.addi %scan3A_368, %scan3A_369 : i32
    %scan3A_371 = arith.constant 1 : i32
    scf.for %scan3A_488 = %scan3A_368 to %scan3A_370 step %scan3A_371  : i32 {
      %mul3A_489 = arith.constant 16 : i32
      %mul3A_490 = arith.muli %scan3A_488, %mul3A_489 : i32
      %swap3A = arith.constant 0 : i32
      %swap3A_491 = arith.constant 16 : i32
      %swap3A_492 = arith.index_cast %swap3A : i32 to index
      %swap3A_493 = arith.index_cast %swap3A_491 : i32 to index
      %swap3A_494 = arith.index_cast %mul3A_490 : i32 to index
      %swap3A_495 = tpu.vector_load %arg8[%swap3A_492, %swap3A_493, %swap3A_494] {strides = array<i32>} : memref<1x20x1000xf32, #tpu.memory_space<vmem>>, vector<16xf32>,
      tpu.vector_store %arg8[%swap3A_492, %swap3A_493, %swap3A_494], %get3A_6 {strides = array<i32>} : memref<1x20x1000xf32, #tpu.memory_space<vmem>>, vector<16xf32>,
    }
    %scan3A_372 = arith.constant 62 : i32
    %broadcast_in_dim3A_373 = arith.constant 16 : i32
    %broadcast_in_dim3A_374 = vector.broadcast %broadcast_in_dim3A_373 : i32 to vector<16xi32>
    %add3A_375 = arith.constant 984 : i32
    %add3A_376 = vector.broadcast %add3A_375 : i32 to vector<16xi32>
    %add3A_377 = arith.addi %add3A_376, %iota3A : vector<16xi32>
    tpu.vector_store_idx %arg8[%broadcast_in_dim3A_5, %broadcast_in_dim3A_374, %add3A_377], %get3A_6 : memref<1x20x1000xf32, #tpu.memory_space<vmem>>[vector<16xi32>, vector<16xi32>, vector<16xi32>], vector<16xf32>,
    %scan3A_378 = arith.constant 0 : i32
    %scan3A_379 = arith.constant 62 : i32
    %scan3A_380 = arith.addi %scan3A_378, %scan3A_379 : i32
    %scan3A_381 = arith.constant 1 : i32
    scf.for %scan3A_488 = %scan3A_378 to %scan3A_380 step %scan3A_381  : i32 {
      %mul3A_489 = arith.constant 16 : i32
      %mul3A_490 = arith.muli %scan3A_488, %mul3A_489 : i32
      %swap3A = arith.constant 0 : i32
      %swap3A_491 = arith.constant 17 : i32
      %swap3A_492 = arith.index_cast %swap3A : i32 to index
      %swap3A_493 = arith.index_cast %swap3A_491 : i32 to index
      %swap3A_494 = arith.index_cast %mul3A_490 : i32 to index
      %swap3A_495 = tpu.vector_load %arg8[%swap3A_492, %swap3A_493, %swap3A_494] {strides = array<i32>} : memref<1x20x1000xf32, #tpu.memory_space<vmem>>, vector<16xf32>,
      tpu.vector_store %arg8[%swap3A_492, %swap3A_493, %swap3A_494], %get3A_6 {strides = array<i32>} : memref<1x20x1000xf32, #tpu.memory_space<vmem>>, vector<16xf32>,
    }
    %scan3A_382 = arith.constant 62 : i32
    %broadcast_in_dim3A_383 = arith.constant 17 : i32
    %broadcast_in_dim3A_384 = vector.broadcast %broadcast_in_dim3A_383 : i32 to vector<16xi32>
    %add3A_385 = arith.constant 984 : i32
    %add3A_386 = vector.broadcast %add3A_385 : i32 to vector<16xi32>
    %add3A_387 = arith.addi %add3A_386, %iota3A : vector<16xi32>
    tpu.vector_store_idx %arg8[%broadcast_in_dim3A_5, %broadcast_in_dim3A_384, %add3A_387], %get3A_6 : memref<1x20x1000xf32, #tpu.memory_space<vmem>>[vector<16xi32>, vector<16xi32>, vector<16xi32>], vector<16xf32>,
    %scan3A_388 = arith.constant 0 : i32
    %scan3A_389 = arith.constant 62 : i32
    %scan3A_390 = arith.addi %scan3A_388, %scan3A_389 : i32
    %scan3A_391 = arith.constant 1 : i32
    scf.for %scan3A_488 = %scan3A_388 to %scan3A_390 step %scan3A_391  : i32 {
      %mul3A_489 = arith.constant 16 : i32
      %mul3A_490 = arith.muli %scan3A_488, %mul3A_489 : i32
      %swap3A = arith.constant 0 : i32
      %swap3A_491 = arith.constant 18 : i32
      %swap3A_492 = arith.index_cast %swap3A : i32 to index
      %swap3A_493 = arith.index_cast %swap3A_491 : i32 to index
      %swap3A_494 = arith.index_cast %mul3A_490 : i32 to index
      %swap3A_495 = tpu.vector_load %arg8[%swap3A_492, %swap3A_493, %swap3A_494] {strides = array<i32>} : memref<1x20x1000xf32, #tpu.memory_space<vmem>>, vector<16xf32>,
      tpu.vector_store %arg8[%swap3A_492, %swap3A_493, %swap3A_494], %get3A_6 {strides = array<i32>} : memref<1x20x1000xf32, #tpu.memory_space<vmem>>, vector<16xf32>,
    }
    %scan3A_392 = arith.constant 62 : i32
    %broadcast_in_dim3A_393 = arith.constant 18 : i32
    %broadcast_in_dim3A_394 = vector.broadcast %broadcast_in_dim3A_393 : i32 to vector<16xi32>
    %add3A_395 = arith.constant 984 : i32
    %add3A_396 = vector.broadcast %add3A_395 : i32 to vector<16xi32>
    %add3A_397 = arith.addi %add3A_396, %iota3A : vector<16xi32>
    tpu.vector_store_idx %arg8[%broadcast_in_dim3A_5, %broadcast_in_dim3A_394, %add3A_397], %get3A_6 : memref<1x20x1000xf32, #tpu.memory_space<vmem>>[vector<16xi32>, vector<16xi32>, vector<16xi32>], vector<16xf32>,
    %scan3A_398 = arith.constant 0 : i32
    %scan3A_399 = arith.constant 62 : i32
    %scan3A_400 = arith.addi %scan3A_398, %scan3A_399 : i32
    %scan3A_401 = arith.constant 1 : i32
    scf.for %scan3A_488 = %scan3A_398 to %scan3A_400 step %scan3A_401  : i32 {
      %mul3A_489 = arith.constant 16 : i32
      %mul3A_490 = arith.muli %scan3A_488, %mul3A_489 : i32
      %swap3A = arith.constant 0 : i32
      %swap3A_491 = arith.constant 19 : i32
      %swap3A_492 = arith.index_cast %swap3A : i32 to index
      %swap3A_493 = arith.index_cast %swap3A_491 : i32 to index
      %swap3A_494 = arith.index_cast %mul3A_490 : i32 to index
      %swap3A_495 = tpu.vector_load %arg8[%swap3A_492, %swap3A_493, %swap3A_494] {strides = array<i32>} : memref<1x20x1000xf32, #tpu.memory_space<vmem>>, vector<16xf32>,
      tpu.vector_store %arg8[%swap3A_492, %swap3A_493, %swap3A_494], %get3A_6 {strides = array<i32>} : memref<1x20x1000xf32, #tpu.memory_space<vmem>>, vector<16xf32>,
    }
    %scan3A_402 = arith.constant 62 : i32
    %broadcast_in_dim3A_403 = arith.constant 19 : i32
    %broadcast_in_dim3A_404 = vector.broadcast %broadcast_in_dim3A_403 : i32 to vector<16xi32>
    %add3A_405 = arith.constant 984 : i32
    %add3A_406 = vector.broadcast %add3A_405 : i32 to vector<16xi32>
    %add3A_407 = arith.addi %add3A_406, %iota3A : vector<16xi32>
    tpu.vector_store_idx %arg8[%broadcast_in_dim3A_5, %broadcast_in_dim3A_404, %add3A_407], %get3A_6 : memref<1x20x1000xf32, #tpu.memory_space<vmem>>[vector<16xi32>, vector<16xi32>, vector<16xi32>], vector<16xf32>,
    %min3A = arith.constant 19 : i32
    %min3A_408 = vector.broadcast %min3A : i32 to vector<16xi32>
    %min3A_409 = arith.minsi %iota3A, %min3A_408 : vector<16xi32>
    %add3A_410 = arith.constant 16 : i32
    %add3A_411 = vector.broadcast %add3A_410 : i32 to vector<16xi32>
    %add3A_412 = arith.addi %iota3A, %add3A_411 : vector<16xi32>
    %min3A_413 = arith.constant 19 : i32
    %min3A_414 = vector.broadcast %min3A_413 : i32 to vector<16xi32>
    %min3A_415 = arith.minsi %add3A_412, %min3A_414 : vector<16xi32>
    %lt3A = arith.constant 16 : i32
    %lt3A_416 = vector.broadcast %lt3A : i32 to vector<16xi32>
    %lt3A_417 = arith.cmpi slt, %iota3A, %lt3A_416 : vector<16xi32>
    %lt3A_418 = arith.constant 4 : i32
    %lt3A_419 = vector.broadcast %lt3A_418 : i32 to vector<16xi32>
    %lt3A_420 = arith.cmpi slt, %iota3A, %lt3A_419 : vector<16xi32>
    %get3A_421 = arith.constant 0 : index
    %get3A_422 = tpu.vector_load %arg5[%get3A_421] {strides = array<i32>} : memref<4096xi32, #tpu.memory_space<vmem>>, vector<16xi32>,
    %get3A_423 = arith.constant 16 : index
    %get3A_424 = tpu.vector_load %arg5[%get3A_423] {strides = array<i32>} : memref<4096xi32, #tpu.memory_space<vmem>>, vector<16xi32>,
    %min3A_425 = arith.constant 999 : i32
    %min3A_426 = vector.broadcast %min3A_425 : i32 to vector<16xi32>
    %min3A_427 = arith.minsi %get3A_422, %min3A_426 : vector<16xi32>
    %min3A_428 = arith.constant 999 : i32
    %min3A_429 = vector.broadcast %min3A_428 : i32 to vector<16xi32>
    %min3A_430 = arith.minsi %get3A_424, %min3A_429 : vector<16xi32>
    tpu.vector_store_idx %arg7[%broadcast_in_dim3A_5, %min3A_409, %min3A_427], %get3A_8 masked %lt3A_417 : memref<1x20x1000xf32, #tpu.memory_space<vmem>>[vector<16xi32>, vector<16xi32>, vector<16xi32>], vector<16xf32>, vector<16xi1>
    tpu.vector_store_idx %arg7[%broadcast_in_dim3A_5, %min3A_415, %min3A_430], %get3A_8 masked %lt3A_420 : memref<1x20x1000xf32, #tpu.memory_space<vmem>>[vector<16xi32>, vector<16xi32>, vector<16xi32>], vector<16xf32>, vector<16xi1>
    %add3A_431 = arith.constant 0 : i32
    %add3A_432 = arith.addi %mul3A_2, %add3A_431 : i32
    %dma_start3A = arith.constant 0 : i32
    %dma_start3A_433 = arith.constant 0 : i32
    %dma_start3A_434 = arith.constant 0 : i32
    %dma_start3A_435 = tpu.memref_slice %arg4[%add3A_432, %dma_start3A_433, %dma_start3A_434] : memref<4096x20x1000xf32, #tpu.memory_space<hbm>> -> memref<1x20x1000xf32, #tpu.memory_space<hbm>>
    %dma_start3A_436 = tpu.memref_slice %arg9[%dma_start3A] : memref<2x!tpu.dma_semaphore, #tpu.memory_space<semaphore_mem>> -> memref<1x!tpu.dma_semaphore, #tpu.memory_space<semaphore_mem>>
    %dma_start3A_437 = tpu.memref_squeeze %dma_start3A_436 : memref<1x!tpu.dma_semaphore, #tpu.memory_space<semaphore_mem>> -> memref<!tpu.dma_semaphore, #tpu.memory_space<semaphore_mem>>
    %dma_start3A_438 = arith.constant 0 : i32
    %dma_start3A_439 = arith.constant 0 : i32
    %dma_start3A_440 = tpu.memref_slice %arg4[%add3A_432, %dma_start3A_438, %dma_start3A_439] : memref<4096x20x1000xf32, #tpu.memory_space<hbm>> -> memref<1x20x1000xf32, #tpu.memory_space<hbm>>
    tpu.enqueue_dma source(%arg7 : memref<1x20x1000xf32, #tpu.memory_space<vmem>>) target(%dma_start3A_440 : memref<1x20x1000xf32, #tpu.memory_space<hbm>>) target_semaphore(%dma_start3A_437 : memref<!tpu.dma_semaphore, #tpu.memory_space<semaphore_mem>>)
    %get3A_441 = arith.constant 32 : index
    %get3A_442 = tpu.vector_load %arg5[%get3A_441] {strides = array<i32>} : memref<4096xi32, #tpu.memory_space<vmem>>, vector<16xi32>,
    %get3A_443 = arith.constant 48 : index
    %get3A_444 = tpu.vector_load %arg5[%get3A_443] {strides = array<i32>} : memref<4096xi32, #tpu.memory_space<vmem>>, vector<16xi32>,
    %min3A_445 = arith.constant 999 : i32
    %min3A_446 = vector.broadcast %min3A_445 : i32 to vector<16xi32>
    %min3A_447 = arith.minsi %get3A_442, %min3A_446 : vector<16xi32>
    %min3A_448 = arith.constant 999 : i32
    %min3A_449 = vector.broadcast %min3A_448 : i32 to vector<16xi32>
    %min3A_450 = arith.minsi %get3A_444, %min3A_449 : vector<16xi32>
    tpu.vector_store_idx %arg8[%broadcast_in_dim3A_5, %min3A_409, %min3A_447], %get3A_8 masked %lt3A_417 : memref<1x20x1000xf32, #tpu.memory_space<vmem>>[vector<16xi32>, vector<16xi32>, vector<16xi32>], vector<16xf32>, vector<16xi1>
    tpu.vector_store_idx %arg8[%broadcast_in_dim3A_5, %min3A_415, %min3A_450], %get3A_8 masked %lt3A_420 : memref<1x20x1000xf32, #tpu.memory_space<vmem>>[vector<16xi32>, vector<16xi32>, vector<16xi32>], vector<16xf32>, vector<16xi1>
    %add3A_451 = arith.constant 1 : i32
    %add3A_452 = arith.addi %mul3A_2, %add3A_451 : i32
    %dma_start3A_453 = arith.constant 1 : i32
    %dma_start3A_454 = arith.constant 0 : i32
    %dma_start3A_455 = arith.constant 0 : i32
    %dma_start3A_456 = tpu.memref_slice %arg4[%add3A_452, %dma_start3A_454, %dma_start3A_455] : memref<4096x20x1000xf32, #tpu.memory_space<hbm>> -> memref<1x20x1000xf32, #tpu.memory_space<hbm>>
    %dma_start3A_457 = tpu.memref_slice %arg9[%dma_start3A_453] : memref<2x!tpu.dma_semaphore, #tpu.memory_space<semaphore_mem>> -> memref<1x!tpu.dma_semaphore, #tpu.memory_space<semaphore_mem>>
    %dma_start3A_458 = tpu.memref_squeeze %dma_start3A_457 : memref<1x!tpu.dma_semaphore, #tpu.memory_space<semaphore_mem>> -> memref<!tpu.dma_semaphore, #tpu.memory_space<semaphore_mem>>
    %dma_start3A_459 = arith.constant 0 : i32
    %dma_start3A_460 = arith.constant 0 : i32
    %dma_start3A_461 = tpu.memref_slice %arg4[%add3A_452, %dma_start3A_459, %dma_start3A_460] : memref<4096x20x1000xf32, #tpu.memory_space<hbm>> -> memref<1x20x1000xf32, #tpu.memory_space<hbm>>
    tpu.enqueue_dma source(%arg8 : memref<1x20x1000xf32, #tpu.memory_space<vmem>>) target(%dma_start3A_461 : memref<1x20x1000xf32, #tpu.memory_space<hbm>>) target_semaphore(%dma_start3A_458 : memref<!tpu.dma_semaphore, #tpu.memory_space<semaphore_mem>>)
    %scan3A_462 = arith.constant 1 : i32
    %scan3A_463 = arith.constant 63 : i32
    %scan3A_464 = arith.addi %scan3A_462, %scan3A_463 : i32
    %scan3A_465 = arith.constant 1 : i32
    scf.for %scan3A_488 = %scan3A_462 to %scan3A_464 step %scan3A_465  : i32 {
      %mul3A_489 = arith.constant 2 : i32
      %mul3A_490 = arith.muli %scan3A_488, %mul3A_489 : i32
      %add3A_491 = arith.constant 0 : i32
      %add3A_492 = arith.addi %mul3A_490, %add3A_491 : i32
      %sub3A = arith.constant 2 : i32
      %sub3A_493 = arith.subi %add3A_492, %sub3A : i32
      %add3A_494 = arith.addi %mul3A_2, %sub3A_493 : i32
      %dma_wait3A_495 = arith.constant 0 : i32
      %dma_wait3A_496 = arith.constant 0 : i32
      %dma_wait3A_497 = arith.constant 0 : i32
      %dma_wait3A_498 = tpu.memref_slice %arg4[%add3A_494, %dma_wait3A_496, %dma_wait3A_497] : memref<4096x20x1000xf32, #tpu.memory_space<hbm>> -> memref<1x20x1000xf32, #tpu.memory_space<hbm>>
      %dma_wait3A_499 = tpu.memref_slice %arg9[%dma_wait3A_495] : memref<2x!tpu.dma_semaphore, #tpu.memory_space<semaphore_mem>> -> memref<1x!tpu.dma_semaphore, #tpu.memory_space<semaphore_mem>>
      %dma_wait3A_500 = tpu.memref_squeeze %dma_wait3A_499 : memref<1x!tpu.dma_semaphore, #tpu.memory_space<semaphore_mem>> -> memref<!tpu.dma_semaphore, #tpu.memory_space<semaphore_mem>>
      %dma_wait3A_501 = arith.constant 0 : i32
      %dma_wait3A_502 = arith.constant 0 : i32
      %dma_wait3A_503 = tpu.memref_slice %arg4[%add3A_494, %dma_wait3A_501, %dma_wait3A_502] : memref<4096x20x1000xf32, #tpu.memory_space<hbm>> -> memref<1x20x1000xf32, #tpu.memory_space<hbm>>
      tpu.wait_dma2 semaphore(%dma_wait3A_500 : memref<!tpu.dma_semaphore, #tpu.memory_space<semaphore_mem>>) src(%arg7 : memref<1x20x1000xf32, #tpu.memory_space<vmem>>) dst(%dma_wait3A_503 : memref<1x20x1000xf32, #tpu.memory_space<hbm>>)
      %sub3A_504 = arith.constant 2 : i32
      %sub3A_505 = arith.subi %add3A_492, %sub3A_504 : i32
      %mul3A_506 = arith.constant 32 : i32
      %mul3A_507 = arith.muli %sub3A_505, %mul3A_506 : i32
      %get3A_508 = arith.index_cast %mul3A_507 : i32 to index
      %get3A_509 = tpu.vector_load %arg5[%get3A_508] {strides = array<i32>} : memref<4096xi32, #tpu.memory_space<vmem>>, vector<16xi32>,
      %add3A_510 = arith.constant 16 : i32
      %add3A_511 = arith.addi %mul3A_507, %add3A_510 : i32
      %get3A_512 = arith.index_cast %add3A_511 : i32 to index
      %get3A_513 = tpu.vector_load %arg5[%get3A_512] {strides = array<i32>} : memref<4096xi32, #tpu.memory_space<vmem>>, vector<16xi32>,
      %min3A_514 = arith.constant 999 : i32
      %min3A_515 = vector.broadcast %min3A_514 : i32 to vector<16xi32>
      %min3A_516 = arith.minsi %get3A_509, %min3A_515 : vector<16xi32>
      %min3A_517 = arith.constant 999 : i32
      %min3A_518 = vector.broadcast %min3A_517 : i32 to vector<16xi32>
      %min3A_519 = arith.minsi %get3A_513, %min3A_518 : vector<16xi32>
      tpu.vector_store_idx %arg7[%broadcast_in_dim3A_5, %min3A_409, %min3A_516], %get3A_6 masked %lt3A_417 : memref<1x20x1000xf32, #tpu.memory_space<vmem>>[vector<16xi32>, vector<16xi32>, vector<16xi32>], vector<16xf32>, vector<16xi1>
      tpu.vector_store_idx %arg7[%broadcast_in_dim3A_5, %min3A_415, %min3A_519], %get3A_6 masked %lt3A_420 : memref<1x20x1000xf32, #tpu.memory_space<vmem>>[vector<16xi32>, vector<16xi32>, vector<16xi32>], vector<16xf32>, vector<16xi1>
      %mul3A_520 = arith.constant 32 : i32
      %mul3A_521 = arith.muli %add3A_492, %mul3A_520 : i32
      %get3A_522 = arith.index_cast %mul3A_521 : i32 to index
      %get3A_523 = tpu.vector_load %arg5[%get3A_522] {strides = array<i32>} : memref<4096xi32, #tpu.memory_space<vmem>>, vector<16xi32>,
      %add3A_524 = arith.constant 16 : i32
      %add3A_525 = arith.addi %mul3A_521, %add3A_524 : i32
      %get3A_526 = arith.index_cast %add3A_525 : i32 to index
      %get3A_527 = tpu.vector_load %arg5[%get3A_526] {strides = array<i32>} : memref<4096xi32, #tpu.memory_space<vmem>>, vector<16xi32>,
      %min3A_528 = arith.constant 999 : i32
      %min3A_529 = vector.broadcast %min3A_528 : i32 to vector<16xi32>
      %min3A_530 = arith.minsi %get3A_523, %min3A_529 : vector<16xi32>
      %min3A_531 = arith.constant 999 : i32
      %min3A_532 = vector.broadcast %min3A_531 : i32 to vector<16xi32>
      %min3A_533 = arith.minsi %get3A_527, %min3A_532 : vector<16xi32>
      tpu.vector_store_idx %arg7[%broadcast_in_dim3A_5, %min3A_409, %min3A_530], %get3A_8 masked %lt3A_417 : memref<1x20x1000xf32, #tpu.memory_space<vmem>>[vector<16xi32>, vector<16xi32>, vector<16xi32>], vector<16xf32>, vector<16xi1>
      tpu.vector_store_idx %arg7[%broadcast_in_dim3A_5, %min3A_415, %min3A_533], %get3A_8 masked %lt3A_420 : memref<1x20x1000xf32, #tpu.memory_space<vmem>>[vector<16xi32>, vector<16xi32>, vector<16xi32>], vector<16xf32>, vector<16xi1>
      %add3A_534 = arith.addi %mul3A_2, %add3A_492 : i32
      %dma_start3A_535 = arith.constant 0 : i32
      %dma_start3A_536 = arith.constant 0 : i32
      %dma_start3A_537 = arith.constant 0 : i32
      %dma_start3A_538 = tpu.memref_slice %arg4[%add3A_534, %dma_start3A_536, %dma_start3A_537] : memref<4096x20x1000xf32, #tpu.memory_space<hbm>> -> memref<1x20x1000xf32, #tpu.memory_space<hbm>>
      %dma_start3A_539 = tpu.memref_slice %arg9[%dma_start3A_535] : memref<2x!tpu.dma_semaphore, #tpu.memory_space<semaphore_mem>> -> memref<1x!tpu.dma_semaphore, #tpu.memory_space<semaphore_mem>>
      %dma_start3A_540 = tpu.memref_squeeze %dma_start3A_539 : memref<1x!tpu.dma_semaphore, #tpu.memory_space<semaphore_mem>> -> memref<!tpu.dma_semaphore, #tpu.memory_space<semaphore_mem>>
      %dma_start3A_541 = arith.constant 0 : i32
      %dma_start3A_542 = arith.constant 0 : i32
      %dma_start3A_543 = tpu.memref_slice %arg4[%add3A_534, %dma_start3A_541, %dma_start3A_542] : memref<4096x20x1000xf32, #tpu.memory_space<hbm>> -> memref<1x20x1000xf32, #tpu.memory_space<hbm>>
      tpu.enqueue_dma source(%arg7 : memref<1x20x1000xf32, #tpu.memory_space<vmem>>) target(%dma_start3A_543 : memref<1x20x1000xf32, #tpu.memory_space<hbm>>) target_semaphore(%dma_start3A_540 : memref<!tpu.dma_semaphore, #tpu.memory_space<semaphore_mem>>)
      %mul3A_544 = arith.constant 2 : i32
      %mul3A_545 = arith.muli %scan3A_488, %mul3A_544 : i32
      %add3A_546 = arith.constant 1 : i32
      %add3A_547 = arith.addi %mul3A_545, %add3A_546 : i32
      %sub3A_548 = arith.constant 2 : i32
      %sub3A_549 = arith.subi %add3A_547, %sub3A_548 : i32
      %add3A_550 = arith.addi %mul3A_2, %sub3A_549 : i32
      %dma_wait3A_551 = arith.constant 1 : i32
      %dma_wait3A_552 = arith.constant 0 : i32
      %dma_wait3A_553 = arith.constant 0 : i32
      %dma_wait3A_554 = tpu.memref_slice %arg4[%add3A_550, %dma_wait3A_552, %dma_wait3A_553] : memref<4096x20x1000xf32, #tpu.memory_space<hbm>> -> memref<1x20x1000xf32, #tpu.memory_space<hbm>>
      %dma_wait3A_555 = tpu.memref_slice %arg9[%dma_wait3A_551] : memref<2x!tpu.dma_semaphore, #tpu.memory_space<semaphore_mem>> -> memref<1x!tpu.dma_semaphore, #tpu.memory_space<semaphore_mem>>
      %dma_wait3A_556 = tpu.memref_squeeze %dma_wait3A_555 : memref<1x!tpu.dma_semaphore, #tpu.memory_space<semaphore_mem>> -> memref<!tpu.dma_semaphore, #tpu.memory_space<semaphore_mem>>
      %dma_wait3A_557 = arith.constant 0 : i32
      %dma_wait3A_558 = arith.constant 0 : i32
      %dma_wait3A_559 = tpu.memref_slice %arg4[%add3A_550, %dma_wait3A_557, %dma_wait3A_558] : memref<4096x20x1000xf32, #tpu.memory_space<hbm>> -> memref<1x20x1000xf32, #tpu.memory_space<hbm>>
      tpu.wait_dma2 semaphore(%dma_wait3A_556 : memref<!tpu.dma_semaphore, #tpu.memory_space<semaphore_mem>>) src(%arg8 : memref<1x20x1000xf32, #tpu.memory_space<vmem>>) dst(%dma_wait3A_559 : memref<1x20x1000xf32, #tpu.memory_space<hbm>>)
      %sub3A_560 = arith.constant 2 : i32
      %sub3A_561 = arith.subi %add3A_547, %sub3A_560 : i32
      %mul3A_562 = arith.constant 32 : i32
      %mul3A_563 = arith.muli %sub3A_561, %mul3A_562 : i32
      %get3A_564 = arith.index_cast %mul3A_563 : i32 to index
      %get3A_565 = tpu.vector_load %arg5[%get3A_564] {strides = array<i32>} : memref<4096xi32, #tpu.memory_space<vmem>>, vector<16xi32>,
      %add3A_566 = arith.constant 16 : i32
      %add3A_567 = arith.addi %mul3A_563, %add3A_566 : i32
      %get3A_568 = arith.index_cast %add3A_567 : i32 to index
      %get3A_569 = tpu.vector_load %arg5[%get3A_568] {strides = array<i32>} : memref<4096xi32, #tpu.memory_space<vmem>>, vector<16xi32>,
      %min3A_570 = arith.constant 999 : i32
      %min3A_571 = vector.broadcast %min3A_570 : i32 to vector<16xi32>
      %min3A_572 = arith.minsi %get3A_565, %min3A_571 : vector<16xi32>
      %min3A_573 = arith.constant 999 : i32
      %min3A_574 = vector.broadcast %min3A_573 : i32 to vector<16xi32>
      %min3A_575 = arith.minsi %get3A_569, %min3A_574 : vector<16xi32>
      tpu.vector_store_idx %arg8[%broadcast_in_dim3A_5, %min3A_409, %min3A_572], %get3A_6 masked %lt3A_417 : memref<1x20x1000xf32, #tpu.memory_space<vmem>>[vector<16xi32>, vector<16xi32>, vector<16xi32>], vector<16xf32>, vector<16xi1>
      tpu.vector_store_idx %arg8[%broadcast_in_dim3A_5, %min3A_415, %min3A_575], %get3A_6 masked %lt3A_420 : memref<1x20x1000xf32, #tpu.memory_space<vmem>>[vector<16xi32>, vector<16xi32>, vector<16xi32>], vector<16xf32>, vector<16xi1>
      %mul3A_576 = arith.constant 32 : i32
      %mul3A_577 = arith.muli %add3A_547, %mul3A_576 : i32
      %get3A_578 = arith.index_cast %mul3A_577 : i32 to index
      %get3A_579 = tpu.vector_load %arg5[%get3A_578] {strides = array<i32>} : memref<4096xi32, #tpu.memory_space<vmem>>, vector<16xi32>,
      %add3A_580 = arith.constant 16 : i32
      %add3A_581 = arith.addi %mul3A_577, %add3A_580 : i32
      %get3A_582 = arith.index_cast %add3A_581 : i32 to index
      %get3A_583 = tpu.vector_load %arg5[%get3A_582] {strides = array<i32>} : memref<4096xi32, #tpu.memory_space<vmem>>, vector<16xi32>,
      %min3A_584 = arith.constant 999 : i32
      %min3A_585 = vector.broadcast %min3A_584 : i32 to vector<16xi32>
      %min3A_586 = arith.minsi %get3A_579, %min3A_585 : vector<16xi32>
      %min3A_587 = arith.constant 999 : i32
      %min3A_588 = vector.broadcast %min3A_587 : i32 to vector<16xi32>
      %min3A_589 = arith.minsi %get3A_583, %min3A_588 : vector<16xi32>
      tpu.vector_store_idx %arg8[%broadcast_in_dim3A_5, %min3A_409, %min3A_586], %get3A_8 masked %lt3A_417 : memref<1x20x1000xf32, #tpu.memory_space<vmem>>[vector<16xi32>, vector<16xi32>, vector<16xi32>], vector<16xf32>, vector<16xi1>
      tpu.vector_store_idx %arg8[%broadcast_in_dim3A_5, %min3A_415, %min3A_589], %get3A_8 masked %lt3A_420 : memref<1x20x1000xf32, #tpu.memory_space<vmem>>[vector<16xi32>, vector<16xi32>, vector<16xi32>], vector<16xf32>, vector<16xi1>
      %add3A_590 = arith.addi %mul3A_2, %add3A_547 : i32
      %dma_start3A_591 = arith.constant 1 : i32
      %dma_start3A_592 = arith.constant 0 : i32
      %dma_start3A_593 = arith.constant 0 : i32
      %dma_start3A_594 = tpu.memref_slice %arg4[%add3A_590, %dma_start3A_592, %dma_start3A_593] : memref<4096x20x1000xf32, #tpu.memory_space<hbm>> -> memref<1x20x1000xf32, #tpu.memory_space<hbm>>
      %dma_start3A_595 = tpu.memref_slice %arg9[%dma_start3A_591] : memref<2x!tpu.dma_semaphore, #tpu.memory_space<semaphore_mem>> -> memref<1x!tpu.dma_semaphore, #tpu.memory_space<semaphore_mem>>
      %dma_start3A_596 = tpu.memref_squeeze %dma_start3A_595 : memref<1x!tpu.dma_semaphore, #tpu.memory_space<semaphore_mem>> -> memref<!tpu.dma_semaphore, #tpu.memory_space<semaphore_mem>>
      %dma_start3A_597 = arith.constant 0 : i32
      %dma_start3A_598 = arith.constant 0 : i32
      %dma_start3A_599 = tpu.memref_slice %arg4[%add3A_590, %dma_start3A_597, %dma_start3A_598] : memref<4096x20x1000xf32, #tpu.memory_space<hbm>> -> memref<1x20x1000xf32, #tpu.memory_space<hbm>>
      tpu.enqueue_dma source(%arg8 : memref<1x20x1000xf32, #tpu.memory_space<vmem>>) target(%dma_start3A_599 : memref<1x20x1000xf32, #tpu.memory_space<hbm>>) target_semaphore(%dma_start3A_596 : memref<!tpu.dma_semaphore, #tpu.memory_space<semaphore_mem>>)
    }
    %scan3A_466 = arith.constant 63 : i32
    %add3A_467 = arith.constant 126 : i32
    %add3A_468 = arith.addi %mul3A_2, %add3A_467 : i32
    %dma_wait3A = arith.constant 0 : i32
    %dma_wait3A_469 = arith.constant 0 : i32
    %dma_wait3A_470 = arith.constant 0 : i32
    %dma_wait3A_471 = tpu.memref_slice %arg4[%add3A_468, %dma_wait3A_469, %dma_wait3A_470] : memref<4096x20x1000xf32, #tpu.memory_space<hbm>> -> memref<1x20x1000xf32, #tpu.memory_space<hbm>>
    %dma_wait3A_472 = tpu.memref_slice %arg9[%dma_wait3A] : memref<2x!tpu.dma_semaphore, #tpu.memory_space<semaphore_mem>> -> memref<1x!tpu.dma_semaphore, #tpu.memory_space<semaphore_mem>>
    %dma_wait3A_473 = tpu.memref_squeeze %dma_wait3A_472 : memref<1x!tpu.dma_semaphore, #tpu.memory_space<semaphore_mem>> -> memref<!tpu.dma_semaphore, #tpu.memory_space<semaphore_mem>>
    %dma_wait3A_474 = arith.constant 0 : i32
    %dma_wait3A_475 = arith.constant 0 : i32
    %dma_wait3A_476 = tpu.memref_slice %arg4[%add3A_468, %dma_wait3A_474, %dma_wait3A_475] : memref<4096x20x1000xf32, #tpu.memory_space<hbm>> -> memref<1x20x1000xf32, #tpu.memory_space<hbm>>
    tpu.wait_dma2 semaphore(%dma_wait3A_473 : memref<!tpu.dma_semaphore, #tpu.memory_space<semaphore_mem>>) src(%arg7 : memref<1x20x1000xf32, #tpu.memory_space<vmem>>) dst(%dma_wait3A_476 : memref<1x20x1000xf32, #tpu.memory_space<hbm>>)
    %add3A_477 = arith.constant 127 : i32
    %add3A_478 = arith.addi %mul3A_2, %add3A_477 : i32
    %dma_wait3A_479 = arith.constant 1 : i32
    %dma_wait3A_480 = arith.constant 0 : i32
    %dma_wait3A_481 = arith.constant 0 : i32
    %dma_wait3A_482 = tpu.memref_slice %arg4[%add3A_478, %dma_wait3A_480, %dma_wait3A_481] : memref<4096x20x1000xf32, #tpu.memory_space<hbm>> -> memref<1x20x1000xf32, #tpu.memory_space<hbm>>
    %dma_wait3A_483 = tpu.memref_slice %arg9[%dma_wait3A_479] : memref<2x!tpu.dma_semaphore, #tpu.memory_space<semaphore_mem>> -> memref<1x!tpu.dma_semaphore, #tpu.memory_space<semaphore_mem>>
    %dma_wait3A_484 = tpu.memref_squeeze %dma_wait3A_483 : memref<1x!tpu.dma_semaphore, #tpu.memory_space<semaphore_mem>> -> memref<!tpu.dma_semaphore, #tpu.memory_space<semaphore_mem>>
    %dma_wait3A_485 = arith.constant 0 : i32
    %dma_wait3A_486 = arith.constant 0 : i32
    %dma_wait3A_487 = tpu.memref_slice %arg4[%add3A_478, %dma_wait3A_485, %dma_wait3A_486] : memref<4096x20x1000xf32, #tpu.memory_space<hbm>> -> memref<1x20x1000xf32, #tpu.memory_space<hbm>>
    tpu.wait_dma2 semaphore(%dma_wait3A_484 : memref<!tpu.dma_semaphore, #tpu.memory_space<semaphore_mem>>) src(%arg8 : memref<1x20x1000xf32, #tpu.memory_space<vmem>>) dst(%dma_wait3A_487 : memref<1x20x1000xf32, #tpu.memory_space<hbm>>)
    return
  }
}

</mosaic_0001>

<sc_bundles>
// kernel: kernel.3.cloned.1.call-start
scs
__scs_entry_jumppad:
0x0: {  	(pc) =	sbr.rel $0x88, $3  }
0x1: {  	(tag) =	ssettag $0x0;
	lr =	simm.s32 $0x1  }
0x2: {  	[smem:$0x3F9F] =	sst lr;
	_ =	strace $0xD0000000  }
0x3: {  	_ = 	snop  }
0x4: {  	_ = 	snop  }
0x5: {  	_ = 	snop  }
0x6: {  	_ = 	snop  }
0x7: {  	_ = 	snop  }
__scs_overlays_trampoline_lowered:
0x8: {  	[smem:$0x3FAE] =	sst s0  }
0x9: {  	[smem:$0x3FAF] =	sst s1  }
0xa: {  	[smem:$0x3FB0] =	sst s2  }
0xb: {  	[smem:$0x3FB1] =	sst s3  }
0xc: {  	[smem:$0x3FB2] =	sst s4  }
0xd: {  	[smem:$0x3FB3] =	sst s5  }
0xe: {  	[smem:$0x3FB4] =	sst s6  }
0xf: {  	[smem:$0x3FB5] =	sst s7  }
0x10: {  	[smem:$0x3FB6] =	sst s8  }
0x11: {  	[smem:$0x3FB7] =	sst s9;
	s0 =	simm.s32 @!p0 $0x0  }
0x12: {  	s1 =	sld [smem:$0x3F9D];
	s0 =	simm.s32 @p0 $0x1  }
0x13: {  	[smem:$0x3FB8] =	sst s0;
	s0 =	simm.s32 @!p1 $0x0  }
0x14: {  	s2 =	sld [smem:$0x3F9C];
	s0 =	simm.s32 @p1 $0x1  }
0x15: {  	[smem:$0x3FB9] =	sst s0;
	s0 =	simm.s32 @!p2 $0x0  }
0x16: {  	s3 =	sld [smem:$0x3FDB];
	s0 =	simm.s32 @p2 $0x1  }
0x17: {  	s4 =	simm.s32 $0x1BF5;
	[smem:$0x3FBB] =	sst s0  }
0x18: {  	s0 =	sld [smem:$0x3F9E];
	_ =	swait.ge [sflag:s4], $0x0  }
0x19: {  	s7 =	sld [smem:$0x3F9F]  }
0x1a: {  	s8 =	sadd.s32 $0xFFFFE003, lr  }
0x1b: {  	s9 =	sadd.s32 $0xFFFFFEF7, lr;
	s5 =	simm.s32 $0xFFFFFFFF;
	p2 =	slt.u32 s8, $0xFFFFF086  }
0x1c: {  	p1 =	slt.u32 s9, $0xF7A;
	s5 =	simm.s32 @!p2 $0x0  }
0x1d: {  	s5 =	simm.s32 @p1 $0x1;
	p0 =	seq.s32 s7, s2  }
0x1e: {  	s7 =	smul.u32 @!p0 $0xF7A, s2;
	p2 =	seq.s32 @!p0 s5, $0x0  }
0x1f: {  	s9 =	smul.u32 $0xF7A, s1;
	s8 =	simm.s32 @!p0 $0x1BF5;
	p2 =	por !p2, p0  }
0x20: {  	[sflag:s8] =	ssyncset.s32 @!p0 $0xFFFFF086;
	s6 =	sadd.s32 @!p0 s3, s7;
	s7 =	simm.s32 @!p0 $0x108  }
0x21: {  	s3 =	sadd.s32 s3, s9;
	s6 =	sadd.s32 @!p0 $0x88, s6;
	s7 =	simm.s32 @p2 $0x1082  }
0x22: {  	[simem:s7], [sflag:s8] =	dma.local @!p0 [hbm:s6], $0xF7A  }
0x23: {  	s9 =	sor.u32 $0xD0000000, s2;
	s6 =	simm.s32 $0x108;
	_ =	swait.ge @!p0 [sflag:s8], $0x0  }
0x24: {  	s3 =	sadd.s32 $0x88, s3;
	s6 =	simm.s32 @!p1 $0x1082;
	[sflag:s4] =	ssyncset.s32 $0xFFFFF086  }
0x25: {  	[simem:s6], [sflag:s4] =	dma.local [hbm:s3], $0xF7A  }
0x26: {  	[smem:$0x3F9F] =	sst s1;
	(tag) =	ssettag s2;
	_ =	strace s9  }
0x27: {  	s1 =	sld [smem:$0x3FAF]  }
0x28: {  	s2 =	sld [smem:$0x3FB0]  }
0x29: {  	s4 =	sld [smem:$0x3FB2]  }
0x2a: {  	p0 =	seq.s32 s5, $0x0;
	s5 =	sld [smem:$0x3FB3]  }
0x2b: {  	s6 =	sld [smem:$0x3FB4]  }
0x2c: {  	s7 =	sld [smem:$0x3FB5]  }
0x2d: {  	s3 =	simm.s32 $0x108;
	s8 =	sld [smem:$0x3FB6]  }
0x2e: {  	s3 =	simm.s32 @!p0 $0x1082;
	s9 =	sld [smem:$0x3FB7]  }
0x2f: {  	lr =	sadd.s32 s0, s3;
	s0 =	sld [smem:$0x3FAE]  }
0x30: {  	s3 =	sld [smem:$0x3FB1]  }
0x31: {  	[smem:$0x3FBA] =	sst s10  }
0x32: {  	s10 =	sld [smem:$0x3FB8];
	_ =	sdelay $0x3  }
0x33: {  	p0 =	seq.s32 s10, $0x1;
	s10 =	sld [smem:$0x3FBA];
	_ =	sdelay $0x3  }
0x34: {  	[smem:$0x3FBA] =	sst s10  }
0x35: {  	s10 =	sld [smem:$0x3FB9];
	_ =	sdelay $0x3  }
0x36: {  	p1 =	seq.s32 s10, $0x1;
	s10 =	sld [smem:$0x3FBA];
	_ =	sdelay $0x3  }
0x37: {  	[smem:$0x3FBA] =	sst s10  }
0x38: {  	s10 =	sld [smem:$0x3FBB]  }
0x39: {  	_ = 	snop;
	(pc) =	sbr.ind lr, $3  }
0x3a: {  	_ = 	snop  }
0x3b: {  	_ = 	snop  }
0x3c: {  	p2 =	seq.s32 s10, $0x1;
	s10 =	sld [smem:$0x3FBA]  }
0x3d: {  	_ =	shalt  }
0x3e: {  	_ =	shalt  }
0x3f: {  	_ =	shalt  }
0x40: {  	_ =	shalt  }
0x41: {  	_ =	shalt  }
0x42: {  	_ =	shalt  }
0x43: {  	_ =	shalt  }
0x44: {  	_ =	shalt  }
0x45: {  	_ =	shalt  }
0x46: {  	_ =	shalt  }
0x47: {  	_ =	shalt  }
0x48: {  	_ =	shalt  }
0x49: {  	_ =	shalt  }
0x4a: {  	_ =	shalt  }
0x4b: {  	_ =	shalt  }
0x4c: {  	_ =	shalt  }
0x4d: {  	_ =	shalt  }
0x4e: {  	_ =	shalt  }
0x4f: {  	_ =	shalt  }
0x50: {  	_ =	shalt  }
0x51: {  	_ =	shalt  }
0x52: {  	_ =	shalt  }
0x53: {  	_ =	shalt  }
0x54: {  	_ =	shalt  }
0x55: {  	_ =	shalt  }
0x56: {  	_ =	shalt  }
0x57: {  	_ =	shalt  }
0x58: {  	_ =	shalt  }
0x59: {  	_ =	shalt  }
0x5a: {  	_ =	shalt  }
0x5b: {  	_ =	shalt  }
0x5c: {  	_ =	shalt  }
0x5d: {  	_ =	shalt  }
0x5e: {  	_ =	shalt  }
0x5f: {  	_ =	shalt  }
0x60: {  	_ =	shalt  }
0x61: {  	_ =	shalt  }
0x62: {  	_ =	shalt  }
0x63: {  	_ =	shalt  }
0x64: {  	_ =	shalt  }
0x65: {  	_ =	shalt  }
0x66: {  	_ =	shalt  }
0x67: {  	_ =	shalt  }
0x68: {  	_ =	shalt  }
0x69: {  	_ =	shalt  }
0x6a: {  	_ =	shalt  }
0x6b: {  	_ =	shalt  }
0x6c: {  	_ =	shalt  }
0x6d: {  	_ =	shalt  }
0x6e: {  	_ =	shalt  }
0x6f: {  	_ =	shalt  }
0x70: {  	_ =	shalt  }
0x71: {  	_ =	shalt  }
0x72: {  	_ =	shalt  }
0x73: {  	_ =	shalt  }
0x74: {  	_ =	shalt  }
0x75: {  	_ =	shalt  }
0x76: {  	_ =	shalt  }
0x77: {  	_ =	shalt  }
0x78: {  	_ =	shalt  }
0x79: {  	_ =	shalt  }
0x7a: {  	_ =	shalt  }
0x7b: {  	_ =	shalt  }
0x7c: {  	_ =	shalt  }
0x7d: {  	_ =	shalt  }
0x7e: {  	_ =	shalt  }
0x7f: {  	_ =	shalt  }
0x80: {  	_ =	shalt  }
0x81: {  	_ =	shalt  }
0x82: {  	_ =	shalt  }
0x83: {  	_ =	shalt  }
0x84: {  	_ =	shalt  }
0x85: {  	_ =	shalt  }
0x86: {  	_ =	shalt  }
0x87: {  	_ =	shalt  }
.Lfunc_end0:
.L_simem_size_0:
called_computation_lowered:
.L_overlay_start_0:
0x88: {  	s2 =	sld [smem:$0x3FD9]  }
0x89: {  	s3 =	sld [smem:$0x3FFE];
	_ =	sdelay $0x1  }
0x8a: {  	s1 =	srdreg.scid  }
0x8b: {  	s0 =	sand.u32 $0x1, s1  }
0x8c: {  	s17 =	sshll.u32 s0, $0xA;
	s2 =	sadd.s32 s3, s2  }
0x8d: {  	s2 =	sadd.s32 s2, s17  }
0x8e: {  	[smem:$0x3FC6] =	sst s2  }
0x8f: {  	_ = 	snop  }
0x90: {  	s2 =	sld [smem:$0x3FD0];
	(tm) =	ssettm $0x1  }
0x91: {  	s18 =	sld [smem:$0x3FFB];
	_ =	sdelay $0x3  }
0x92: {  	_ =	strace s18  }
0x93: {  	s3 =	sld [smem:$0x3FFC];
	_ =	sdelay $0x3  }
0x94: {  	_ =	strace s3  }
0x95: {  	s3 =	sld [smem:$0x3FFD];
	_ =	sdelay $0x3  }
0x96: {  	_ =	strace s3  }
0x97: {  	_ =	strace $0x8FFFFFFF  }
0x98: {  	s19 =	sld [smem:$0x3FDB];
	_ =	sdelay $0x1  }
0x99: {  	s4 =	simm.s32 $_scs_section_size  }
0x9a: {  	s5 =	simm.s32 $_size__tile_overlayer_lowered;
	s6 =	simm.s32 $_tile_overlayer_lowered  }
0x9b: {  	s22 =	simm.s32 $0x1BFF;
	s21 =	sshll.u32 s6, $0x1;
	s3 =	sadd.s32 s4, s19  }
0x9c: {  	s7 =	simm.s32 $0x0;
	s20 =	sshll.u32 s5, $0x1;
	s5 =	sadd.s32 s21, s3  }
0x9d: {  	[timem:s7], [sflag:s22] =	dma.local [hbm:s5], s20  }
0x9e: {  	_ =	swait.ge [sflag:s22], s20  }
0x9f: {  	s4 =	ssub.s32 $0x0, s20;
	[sflag:s22] =	ssyncset.done $0x0  }
0xa0: {  	[sflag:s22] =	ssyncadd.s32 s4;
	_ =	sdelay $0x1  }
0xa1: {  	s23 =	simm.s32 $0x1B8B  }
0xa2: {  	_ =	swait.ge [sflag:s23], $0x1  }
0xa3: {  	[sflag:s23] =	ssyncset.done $0x0  }
0xa4: {  	s25 =	simm.s32 $0x1B8E;
	s24 =	sld [smem:$0x3FFE];
	[sflag:s23] =	ssyncadd.s32 $0xFFFFFFFF  }
0xa5: {  	s26 =	simm.s32 $execute0_lowered;
	[smem:$0x3FD2] =	sst s25  }
0xa6: {  	s5 =	sshll.u32 s26, $0x1;
	_ =	strace $0x80000046;
	[dreg:$0x1] =	wrdreg $0xFFFFFFFF  }
0xa7: {  	s28 =	simm.s32 $_size_execute0_lowered;
	s3 =	sadd.s32 s3, s5;
	[dreg:$0x0] =	wrdreg $0x0  }
0xa8: {  	s5 =	sshll.u32 s28, $0x1;
	[dreg:$0x2] =	wrdreg s3  }
0xa9: {  	[dreg:$0x3] =	wrdreg s5  }
0xaa: {  	[dreg:$0x4] =	wrdreg $0xC0  }
0xab: {  	_ =	task [dreg:s7], $0x5FFFF  }
0xac: {  	[dreg:$0x1] =	wrdreg $0xFFFFFFFF  }
0xad: {  	[dreg:$0x0] =	wrdreg $0x60  }
0xae: {  	[dreg:$0x2] =	wrdreg s2  }
0xaf: {  	[dreg:$0x3] =	wrdreg s24  }
0xb0: {  	[dreg:$0x4] =	wrdreg $0x9  }
0xb1: {  	_ =	task.clear_ibuf [dreg:s7], $0x5FFFF;
	_ =	strace $0x90000046  }
0xb2: {  	s29 =	simm.s32 $0x9;
	_ =	strace $0x80000048  }
0xb3: {  	_ =	swait.ge [sflag:s29], $0x1  }
0xb4: {  	[sflag:s29] =	ssyncadd.s32 $0xFFFFFFFF  }
0xb5: {  	_ =	strace $0x90000048  }
0xb6: {  	_ =	sfence  }
0xb7: {  	s30 =	sld [smem:$0x0];
	_ =	sdelay $0x2  }
0xb8: {  	s31 =	sshll.u32 s1, $0xD;
	s1 =	sshrl.u32 s1, $0x2  }
0xb9: {  	s3 =	sand.u32 $0x4000, s31;
	s1 =	sadd.s32 s1, s30  }
0xba: {  	s0 =	sor.u32 s3, s0;
	s1 =	sshll.u32 s1, $0x11  }
0xbb: {  	s0 =	sor.u32 s1, s0  }
0xbc: {  	s0 =	sadd.s32 $0x8F2B, s0  }
0xbd: {  	[sflag:s0] =	ssyncadd.remote.s32 $0x1  }
0xbe: {  	_ =	sfence.sel $0xFFFF  }
0xbf: {  	[dreg:$0x0] =	wrdreg $0xFFFFFFFF;
	(pc) =	sbr.abs _section_cstart, $3  }
0xc0: {  	[dreg:$0x1] =	wrdreg $0xFFFFFFFF  }
0xc1: {  	_ =	task.clear_ibuf [dreg:s7], $0x2FFFF;
	_ =	strace $0x9FFFFFFF  }
0xc2: {  	(tm) =	ssettm $0x7FFFFFFF  }
0xc3: {  	_ =	shalt  }
tec
execute0_lowered:
.L_overlay_start_1:
0x0: {  	(tag) =	ssettag $0x1  }
0x1: {  	v19 =	vlaneseq.u32;
	v6 =	vimm.s32 $0x2380  }
0x2: {  	vm2 =	vcmask $0x300;
	vm0 =	vcmask $0x704;
	vm1 =	vcmask $0xB08  }
0x3: {  	vm3 =	vcmask $0xF0C;
	vm15 =	vcmask $0x1310;
	vm6 =	vcmask $0x1714  }
0x4: {  	vm7 =	vcmask $0x1B18;
	vm8 =	vcmask $0x1F1C;
	vm9 =	vcmask $0x2320  }
0x5: {  	vm10 =	vcmask $0x2724;
	vm11 =	vcmask $0x2B28;
	v7 =	vsel vm2, $0x0, v6  }
0x6: {  	vm12 =	vcmask $0x2F2C;
	vm13 =	vcmask $0x3330;
	v8 =	vsel vm0, $0x80, v7  }
0x7: {  	s5 =	rddreg [dreg:$0x0];
	v21 =	vimm.s32 $0x4180;
	vm14 =	vcmask $0x3734;
	v9 =	vsel vm1, $0x100, v8  }
0x8: {  	s4 =	rddreg [dreg:$0x1];
	v0 =	vadd.s32 $0x1C58, v19;
	v1 =	vadd.s32 $0x1CD8, v19;
	v10 =	vsel vm3, $0x180, v9  }
0x9: {  	s0 =	rddreg [dreg:$0x2];
	v2 =	vadd.s32 $0x1D58, v19;
	v3 =	vadd.s32 $0x1DD8, v19;
	v11 =	vsel vm15, $0x200, v10  }
0xa: {  	s2 =	simm.s32 $0x0;
	s3 =	srdreg.scid;
	s1 =	stileid.u32;
	v4 =	vadd.s32 $0x1E58, v19;
	v5 =	vadd.s32 $0x1ED8, v19;
	v12 =	vsel vm6, $0x280, v11  }
0xb: {  	s12 =	simm.s32 $0x7080;
	s13 =	simm.s32 $0x1;
	s14 =	simm.s32 $0x2;
	v6 =	vadd.s32 $0x1F58, v19;
	v21 =	vsel vm2, $0x4000, v21;
	v13 =	vsel vm7, $0x300, v12  }
0xc: {  	s15 =	simm.s32 $0x0;
	[smem:$0x7FF] =	sst s2;
	s6 =	sand.u32 $0x1, s3;
	v7 =	vadd.s32 $0x1FD8, v19;
	v21 =	vsel vm0, $0x4080, v21;
	v14 =	vsel vm8, $0x380, v13  }
0xd: {  	s28 =	sshll.u32 s1, $0x1;
	s3 =	sadd.s32 $0x400, s4;
	s11 =	sadd.s32 $0x600, s4;
	v8 =	vadd.s32 $0x3C58, v19;
	v21 =	vsel vm1, $0x4100, v21;
	v15 =	vsel vm9, $0x2000, v14  }
0xe: {  	s29 =	smul.u32 $0xC0000, s1;
	_ =	strace $0x80000047;
	s7 =	ssub.s32 $0x2, s6;
	v9 =	vadd.s32 $0x3CD8, v19;
	v10 =	vadd.s32 $0x3D58, v19;
	v16 =	vsel vm10, $0x2080, v15  }
0xf: {  	s8 =	sor.u32 s6, s28;
	s30 =	smul.u32 $0x60000, s6;
	s9 =	sshrl.u32 s7, $0x1;
	vm15 =	vcmask $0x3B38;
	v11 =	vadd.s32 $0x3DD8, v19;
	v17 =	vsel vm11, $0x2100, v16  }
0x10: {  	s10 =	smul.u32 $0x60000, s8;
	s8 =	sshll.u32 s8, $0x9;
	s31 =	sadd.s32 s29, s11;
	v12 =	vadd.s32 $0x3E58, v19;
	v13 =	vadd.s32 $0x3ED8, v19;
	v18 =	vsel vm12, $0x2180, v17  }
0x11: {  	s7 =	ssub.s32 s7, s9;
	s5 =	sadd.s32 s5, s8;
	s8 =	sadd.s32 s30, s31;
	v14 =	vadd.s32 $0x3F58, v19;
	v15 =	vadd.s32 $0x3FD8, v19;
	v20 =	vsel vm13, $0x2200, v18  }
0x12: {  	s9 =	simm.s32 $0x3;
	s4 =	sadd.s32 s11, s10;
	s7 =	smax.u32 s7, $0x1;
	v16 =	vadd.s32 $0x5C58, v19;
	v17 =	vadd.s32 $0x5CD8, v19;
	v20 =	vsel vm14, $0x2280, v20  }
0x13: {  	s10 =	simm.s32 $0x1000;
	s11 =	simm.s32 $0x1080;
	s6 =	sadd.s32 $0xC00, s4;
	v18 =	vadd.s32 $0x5D58, v19;
	v19 =	vadd.s32 $0x5DD8, v19;
	v20 =	vsel vm15, $0x2300, v20  }
.LBB2_1:
0x14: {  	[tilespmem:s2], [sflag:$0x3] =	stream.linear.gather [hbm4b:s5+s2], $0x1000, $0x38;
	[tilespmem:$0xD080] =	vst v63  }
0x15: {  	_ =	swait.ge [sflag:s9], $0x1000  }
0x16: {  	[sflag:s9] =	ssyncset.done $0x0  }
0x17: {  	[sflag:s9] =	ssyncadd.s32 $0xFFFFF000  }
0x18: {  	[tilespmem:s10], [sflag:$0x3] =	stream.linear.gather [hbm4b:s3+s2], $0x80, $0x38;
	[tilespmem:$0xD080] =	vst v63  }
0x19: {  	_ =	swait.ge [sflag:s9], $0x80  }
0x1a: {  	[sflag:s9] =	ssyncset.done $0x0  }
0x1b: {  	[sflag:s9] =	ssyncadd.s32 $0xFFFFFF80  }
0x1c: {  	v22 =	vld [tilespmem:$0x1000];
	_ =	sdelay $0x2  }
0x1d: {  	s16 =	sand.u32 $0x70, s2;
	s17 =	sand.u32 $0x1C00, s2  }
0x1e: {  	s17 =	sor.u32 s16, s17  }
0x1f: {  	s16 =	simm.s32 $0x10;
	v23 =	vld [tilespmem:$0x1010];
	[tilespmem:s17+$0x1080] =	vst v22;
	s17 =	simm.s32 $0x0  }
.LBB2_2:
0x20: {  	p0 =	sne.s32 s16, $0x3D0  }
.Ltmp0:
0x21: {  	_ = 	snop;
	(pc) =	sbr.rel @p0 .LBB2_2-.Ltmp0, $4  }
0x22: {  	s17 =	sadd.s32 $0x80, s17  }
0x23: {  	s18 =	sand.u32 $0x70, s16;
	s19 =	sand.u32 $0x1C00, s17  }
0x24: {  	s18 =	sor.u32 s18, s19  }
0x25: {  	s16 =	sadd.s32 $0x10, s16;
	[tilespmem:s18+$0x1080] =	vst v22  }
0x26: {  	_ =	sdelay $0x1  }
0x27: {  	s16 =	simm.s32 $0x0  }
0x28: {  	s17 =	sand.u32 $0x70, s16;
	s18 =	sand.u32 $0x1C00, s16  }
0x29: {  	[tilespmem:v0+s11+$0x0] =	vst.idx.msk $0xffff, v22;
	s18 =	sor.u32 s17, s18  }
0x2a: {  	s17 =	simm.s32 $0x10;
	[tilespmem:s18+$0x1100] =	vst v22  }
.LBB2_4:
0x2b: {  	p0 =	sne.s32 s17, $0x3D0  }
.Ltmp1:
0x2c: {  	_ = 	snop;
	(pc) =	sbr.rel @p0 .LBB2_4-.Ltmp1, $4  }
0x2d: {  	s16 =	sadd.s32 $0x80, s16  }
0x2e: {  	s18 =	sand.u32 $0x70, s17;
	s19 =	sand.u32 $0x1C00, s16  }
0x2f: {  	s18 =	sor.u32 s18, s19  }
0x30: {  	s17 =	sadd.s32 $0x10, s17;
	[tilespmem:s18+$0x1100] =	vst v22  }
0x31: {  	_ =	sdelay $0x1  }
0x32: {  	s16 =	simm.s32 $0x0  }
0x33: {  	s17 =	sand.u32 $0x70, s16;
	s18 =	sand.u32 $0x1C00, s16  }
0x34: {  	[tilespmem:v1+s11+$0x0] =	vst.idx.msk $0xffff, v22;
	s18 =	sor.u32 s17, s18  }
0x35: {  	s17 =	simm.s32 $0x10;
	[tilespmem:s18+$0x1180] =	vst v22  }
.LBB2_6:
0x36: {  	p0 =	sne.s32 s17, $0x3D0  }
.Ltmp2:
0x37: {  	_ = 	snop;
	(pc) =	sbr.rel @p0 .LBB2_6-.Ltmp2, $4  }
0x38: {  	s16 =	sadd.s32 $0x80, s16  }
0x39: {  	s18 =	sand.u32 $0x70, s17;
	s19 =	sand.u32 $0x1C00, s16  }
0x3a: {  	s18 =	sor.u32 s18, s19  }
0x3b: {  	s17 =	sadd.s32 $0x10, s17;
	[tilespmem:s18+$0x1180] =	vst v22  }
0x3c: {  	_ =	sdelay $0x1  }
0x3d: {  	s16 =	simm.s32 $0x0  }
0x3e: {  	s17 =	sand.u32 $0x70, s16;
	s18 =	sand.u32 $0x1C00, s16  }
0x3f: {  	[tilespmem:v2+s11+$0x0] =	vst.idx.msk $0xffff, v22;
	s18 =	sor.u32 s17, s18  }
0x40: {  	s17 =	simm.s32 $0x10;
	[tilespmem:s18+$0x1200] =	vst v22  }
.LBB2_8:
0x41: {  	p0 =	sne.s32 s17, $0x3D0  }
.Ltmp3:
0x42: {  	_ = 	snop;
	(pc) =	sbr.rel @p0 .LBB2_8-.Ltmp3, $4  }
0x43: {  	s16 =	sadd.s32 $0x80, s16  }
0x44: {  	s18 =	sand.u32 $0x70, s17;
	s19 =	sand.u32 $0x1C00, s16  }
0x45: {  	s18 =	sor.u32 s18, s19  }
0x46: {  	s17 =	sadd.s32 $0x10, s17;
	[tilespmem:s18+$0x1200] =	vst v22  }
0x47: {  	_ =	sdelay $0x1  }
0x48: {  	s16 =	simm.s32 $0x0  }
0x49: {  	s17 =	sand.u32 $0x70, s16;
	s18 =	sand.u32 $0x1C00, s16  }
0x4a: {  	[tilespmem:v3+s11+$0x0] =	vst.idx.msk $0xffff, v22;
	s18 =	sor.u32 s17, s18  }
0x4b: {  	s17 =	simm.s32 $0x10;
	[tilespmem:s18+$0x1280] =	vst v22  }
.LBB2_10:
0x4c: {  	p0 =	sne.s32 s17, $0x3D0  }
.Ltmp4:
0x4d: {  	_ = 	snop;
	(pc) =	sbr.rel @p0 .LBB2_10-.Ltmp4, $4  }
0x4e: {  	s16 =	sadd.s32 $0x80, s16  }
0x4f: {  	s18 =	sand.u32 $0x70, s17;
	s19 =	sand.u32 $0x1C00, s16  }
0x50: {  	s18 =	sor.u32 s18, s19  }
0x51: {  	s17 =	sadd.s32 $0x10, s17;
	[tilespmem:s18+$0x1280] =	vst v22  }
0x52: {  	_ =	sdelay $0x1  }
0x53: {  	s16 =	simm.s32 $0x0  }
0x54: {  	s17 =	sand.u32 $0x70, s16;
	s18 =	sand.u32 $0x1C00, s16  }
0x55: {  	[tilespmem:v4+s11+$0x0] =	vst.idx.msk $0xffff, v22;
	s18 =	sor.u32 s17, s18  }
0x56: {  	s17 =	simm.s32 $0x10;
	[tilespmem:s18+$0x1300] =	vst v22  }
.LBB2_12:
0x57: {  	p0 =	sne.s32 s17, $0x3D0  }
.Ltmp5:
0x58: {  	_ = 	snop;
	(pc) =	sbr.rel @p0 .LBB2_12-.Ltmp5, $4  }
0x59: {  	s16 =	sadd.s32 $0x80, s16  }
0x5a: {  	s18 =	sand.u32 $0x70, s17;
	s19 =	sand.u32 $0x1C00, s16  }
0x5b: {  	s18 =	sor.u32 s18, s19  }
0x5c: {  	s17 =	sadd.s32 $0x10, s17;
	[tilespmem:s18+$0x1300] =	vst v22  }
0x5d: {  	_ =	sdelay $0x1  }
0x5e: {  	s16 =	simm.s32 $0x0  }
0x5f: {  	s17 =	sand.u32 $0x70, s16;
	s18 =	sand.u32 $0x1C00, s16  }
0x60: {  	[tilespmem:v5+s11+$0x0] =	vst.idx.msk $0xffff, v22;
	s18 =	sor.u32 s17, s18  }
0x61: {  	s17 =	simm.s32 $0x10;
	[tilespmem:s18+$0x1380] =	vst v22  }
.LBB2_14:
0x62: {  	p0 =	sne.s32 s17, $0x3D0  }
.Ltmp6:
0x63: {  	_ = 	snop;
	(pc) =	sbr.rel @p0 .LBB2_14-.Ltmp6, $4  }
0x64: {  	s16 =	sadd.s32 $0x80, s16  }
0x65: {  	s18 =	sand.u32 $0x70, s17;
	s19 =	sand.u32 $0x1C00, s16  }
0x66: {  	s18 =	sor.u32 s18, s19  }
0x67: {  	s17 =	sadd.s32 $0x10, s17;
	[tilespmem:s18+$0x1380] =	vst v22  }
0x68: {  	_ =	sdelay $0x1  }
0x69: {  	s16 =	simm.s32 $0x0  }
0x6a: {  	s18 =	sor.u32 s16, s16  }
0x6b: {  	[tilespmem:v6+s11+$0x0] =	vst.idx.msk $0xffff, v22;
	s17 =	simm.s32 $0x10;
	s18 =	sor.u32 $0x380, s18  }
.LBB2_16:
0x6c: {  	p0 =	sne.s32 s17, $0x3D0  }
0x6d: {  	[tilespmem:s18+$0x1080] =	vst v22;
	s16 =	sadd.s32 $0x80, s16;
	s18 =	smov.u32 s17;
	s17 =	sadd.s32 $0x10, s17  }
.Ltmp7:
0x6e: {  	(pc) =	sbr.rel @p0 .LBB2_16-.Ltmp7, $3  }
0x6f: {  	_ =	sdelay $0x1  }
0x70: {  	s18 =	sor.u32 s16, s18  }
0x71: {  	s18 =	sor.u32 $0x380, s18  }
0x72: {  	_ =	sdelay $0x1  }
0x73: {  	s16 =	simm.s32 $0x0  }
0x74: {  	[tilespmem:s18+$0x1080] =	vst v22;
	s17 =	sand.u32 $0x70, s16;
	s31 =	sand.u32 $0x1C00, s16  }
0x75: {  	[tilespmem:v7+s11+$0x0] =	vst.idx.msk $0xffff, v22;
	s18 =	sor.u32 s17, s31  }
0x76: {  	s17 =	simm.s32 $0x10;
	[tilespmem:s18+$0x3080] =	vst v22  }
.LBB2_18:
0x77: {  	p0 =	sne.s32 s17, $0x3D0  }
.Ltmp8:
0x78: {  	_ = 	snop;
	(pc) =	sbr.rel @p0 .LBB2_18-.Ltmp8, $4  }
0x79: {  	s16 =	sadd.s32 $0x80, s16  }
0x7a: {  	s18 =	sand.u32 $0x70, s17;
	s19 =	sand.u32 $0x1C00, s16  }
0x7b: {  	s18 =	sor.u32 s18, s19  }
0x7c: {  	s17 =	sadd.s32 $0x10, s17;
	[tilespmem:s18+$0x3080] =	vst v22  }
0x7d: {  	_ =	sdelay $0x1  }
0x7e: {  	s16 =	simm.s32 $0x0  }
0x7f: {  	s17 =	sand.u32 $0x70, s16;
	s18 =	sand.u32 $0x1C00, s16  }
0x80: {  	[tilespmem:v8+s11+$0x0] =	vst.idx.msk $0xffff, v22;
	s18 =	sor.u32 s17, s18  }
0x81: {  	s17 =	simm.s32 $0x10;
	[tilespmem:s18+$0x3100] =	vst v22  }
.LBB2_20:
0x82: {  	p0 =	sne.s32 s17, $0x3D0  }
.Ltmp9:
0x83: {  	_ = 	snop;
	(pc) =	sbr.rel @p0 .LBB2_20-.Ltmp9, $4  }
0x84: {  	s16 =	sadd.s32 $0x80, s16  }
0x85: {  	s18 =	sand.u32 $0x70, s17;
	s19 =	sand.u32 $0x1C00, s16  }
0x86: {  	s18 =	sor.u32 s18, s19  }
0x87: {  	s17 =	sadd.s32 $0x10, s17;
	[tilespmem:s18+$0x3100] =	vst v22  }
0x88: {  	_ =	sdelay $0x1  }
0x89: {  	s16 =	simm.s32 $0x0  }
0x8a: {  	s17 =	sand.u32 $0x70, s16;
	s18 =	sand.u32 $0x1C00, s16  }
0x8b: {  	[tilespmem:v9+s11+$0x0] =	vst.idx.msk $0xffff, v22;
	s18 =	sor.u32 s17, s18  }
0x8c: {  	s17 =	simm.s32 $0x10;
	[tilespmem:s18+$0x3180] =	vst v22  }
.LBB2_22:
0x8d: {  	p0 =	sne.s32 s17, $0x3D0  }
.Ltmp10:
0x8e: {  	_ = 	snop;
	(pc) =	sbr.rel @p0 .LBB2_22-.Ltmp10, $4  }
0x8f: {  	s16 =	sadd.s32 $0x80, s16  }
0x90: {  	s18 =	sand.u32 $0x70, s17;
	s19 =	sand.u32 $0x1C00, s16  }
0x91: {  	s18 =	sor.u32 s18, s19  }
0x92: {  	s17 =	sadd.s32 $0x10, s17;
	[tilespmem:s18+$0x3180] =	vst v22  }
0x93: {  	_ =	sdelay $0x1  }
0x94: {  	s16 =	simm.s32 $0x0  }
0x95: {  	s17 =	sand.u32 $0x70, s16;
	s18 =	sand.u32 $0x1C00, s16  }
0x96: {  	[tilespmem:v10+s11+$0x0] =	vst.idx.msk $0xffff, v22;
	s18 =	sor.u32 s17, s18  }
0x97: {  	s17 =	simm.s32 $0x10;
	[tilespmem:s18+$0x3200] =	vst v22  }
.LBB2_24:
0x98: {  	p0 =	sne.s32 s17, $0x3D0  }
.Ltmp11:
0x99: {  	_ = 	snop;
	(pc) =	sbr.rel @p0 .LBB2_24-.Ltmp11, $4  }
0x9a: {  	s16 =	sadd.s32 $0x80, s16  }
0x9b: {  	s18 =	sand.u32 $0x70, s17;
	s19 =	sand.u32 $0x1C00, s16  }
0x9c: {  	s18 =	sor.u32 s18, s19  }
0x9d: {  	s17 =	sadd.s32 $0x10, s17;
	[tilespmem:s18+$0x3200] =	vst v22  }
0x9e: {  	_ =	sdelay $0x1  }
0x9f: {  	s16 =	simm.s32 $0x0  }
0xa0: {  	s17 =	sand.u32 $0x70, s16;
	s18 =	sand.u32 $0x1C00, s16  }
0xa1: {  	[tilespmem:v11+s11+$0x0] =	vst.idx.msk $0xffff, v22;
	s18 =	sor.u32 s17, s18  }
0xa2: {  	s17 =	simm.s32 $0x10;
	[tilespmem:s18+$0x3280] =	vst v22  }
.LBB2_26:
0xa3: {  	p0 =	sne.s32 s17, $0x3D0  }
.Ltmp12:
0xa4: {  	_ = 	snop;
	(pc) =	sbr.rel @p0 .LBB2_26-.Ltmp12, $4  }
0xa5: {  	s16 =	sadd.s32 $0x80, s16  }
0xa6: {  	s18 =	sand.u32 $0x70, s17;
	s19 =	sand.u32 $0x1C00, s16  }
0xa7: {  	s18 =	sor.u32 s18, s19  }
0xa8: {  	s17 =	sadd.s32 $0x10, s17;
	[tilespmem:s18+$0x3280] =	vst v22  }
0xa9: {  	_ =	sdelay $0x1  }
0xaa: {  	s16 =	simm.s32 $0x0  }
0xab: {  	s17 =	sand.u32 $0x70, s16;
	s18 =	sand.u32 $0x1C00, s16  }
0xac: {  	[tilespmem:v12+s11+$0x0] =	vst.idx.msk $0xffff, v22;
	s18 =	sor.u32 s17, s18  }
0xad: {  	s17 =	simm.s32 $0x10;
	[tilespmem:s18+$0x3300] =	vst v22  }
.LBB2_28:
0xae: {  	p0 =	sne.s32 s17, $0x3D0  }
.Ltmp13:
0xaf: {  	_ = 	snop;
	(pc) =	sbr.rel @p0 .LBB2_28-.Ltmp13, $4  }
0xb0: {  	s16 =	sadd.s32 $0x80, s16  }
0xb1: {  	s18 =	sand.u32 $0x70, s17;
	s19 =	sand.u32 $0x1C00, s16  }
0xb2: {  	s18 =	sor.u32 s18, s19  }
0xb3: {  	s17 =	sadd.s32 $0x10, s17;
	[tilespmem:s18+$0x3300] =	vst v22  }
0xb4: {  	_ =	sdelay $0x1  }
0xb5: {  	s16 =	simm.s32 $0x0  }
0xb6: {  	s17 =	sand.u32 $0x70, s16;
	s18 =	sand.u32 $0x1C00, s16  }
0xb7: {  	[tilespmem:v13+s11+$0x0] =	vst.idx.msk $0xffff, v22;
	s18 =	sor.u32 s17, s18  }
0xb8: {  	s17 =	simm.s32 $0x10;
	[tilespmem:s18+$0x3380] =	vst v22  }
.LBB2_30:
0xb9: {  	p0 =	sne.s32 s17, $0x3D0  }
.Ltmp14:
0xba: {  	_ = 	snop;
	(pc) =	sbr.rel @p0 .LBB2_30-.Ltmp14, $4  }
0xbb: {  	s16 =	sadd.s32 $0x80, s16  }
0xbc: {  	s18 =	sand.u32 $0x70, s17;
	s19 =	sand.u32 $0x1C00, s16  }
0xbd: {  	s18 =	sor.u32 s18, s19  }
0xbe: {  	s17 =	sadd.s32 $0x10, s17;
	[tilespmem:s18+$0x3380] =	vst v22  }
0xbf: {  	_ =	sdelay $0x1  }
0xc0: {  	s16 =	simm.s32 $0x0  }
0xc1: {  	s17 =	sand.u32 $0x70, s16;
	s18 =	sand.u32 $0x1C00, s16  }
0xc2: {  	[tilespmem:v14+s11+$0x0] =	vst.idx.msk $0xffff, v22;
	s18 =	sor.u32 s17, s18  }
0xc3: {  	s17 =	simm.s32 $0x10;
	[tilespmem:s18+$0x3400] =	vst v22  }
.LBB2_32:
0xc4: {  	p0 =	sne.s32 s17, $0x3D0  }
.Ltmp15:
0xc5: {  	_ = 	snop;
	(pc) =	sbr.rel @p0 .LBB2_32-.Ltmp15, $4  }
0xc6: {  	s16 =	sadd.s32 $0x80, s16  }
0xc7: {  	s18 =	sand.u32 $0x70, s17;
	s19 =	sand.u32 $0x1C00, s16  }
0xc8: {  	s18 =	sor.u32 s18, s19  }
0xc9: {  	s17 =	sadd.s32 $0x10, s17;
	[tilespmem:s18+$0x3400] =	vst v22  }
0xca: {  	_ =	sdelay $0x1  }
0xcb: {  	s16 =	simm.s32 $0x0  }
0xcc: {  	s17 =	sand.u32 $0x70, s16;
	s18 =	sand.u32 $0x1C00, s16  }
0xcd: {  	[tilespmem:v15+s11+$0x0] =	vst.idx.msk $0xffff, v22;
	s18 =	sor.u32 s17, s18  }
0xce: {  	s17 =	simm.s32 $0x10;
	[tilespmem:s18+$0x5080] =	vst v22  }
.LBB2_34:
0xcf: {  	p0 =	sne.s32 s17, $0x3D0  }
.Ltmp16:
0xd0: {  	_ = 	snop;
	(pc) =	sbr.rel @p0 .LBB2_34-.Ltmp16, $4  }
0xd1: {  	s16 =	sadd.s32 $0x80, s16  }
0xd2: {  	s18 =	sand.u32 $0x70, s17;
	s19 =	sand.u32 $0x1C00, s16  }
0xd3: {  	s18 =	sor.u32 s18, s19  }
0xd4: {  	s17 =	sadd.s32 $0x10, s17;
	[tilespmem:s18+$0x5080] =	vst v22  }
0xd5: {  	_ =	sdelay $0x1  }
0xd6: {  	s16 =	simm.s32 $0x0  }
0xd7: {  	s17 =	sand.u32 $0x70, s16;
	s18 =	sand.u32 $0x1C00, s16  }
0xd8: {  	[tilespmem:v16+s11+$0x0] =	vst.idx.msk $0xffff, v22;
	s18 =	sor.u32 s17, s18  }
0xd9: {  	s17 =	simm.s32 $0x10;
	[tilespmem:s18+$0x5100] =	vst v22  }
.LBB2_36:
0xda: {  	p0 =	sne.s32 s17, $0x3D0  }
.Ltmp17:
0xdb: {  	_ = 	snop;
	(pc) =	sbr.rel @p0 .LBB2_36-.Ltmp17, $4  }
0xdc: {  	s16 =	sadd.s32 $0x80, s16  }
0xdd: {  	s18 =	sand.u32 $0x70, s17;
	s19 =	sand.u32 $0x1C00, s16  }
0xde: {  	s18 =	sor.u32 s18, s19  }
0xdf: {  	s17 =	sadd.s32 $0x10, s17;
	[tilespmem:s18+$0x5100] =	vst v22  }
0xe0: {  	_ =	sdelay $0x1  }
0xe1: {  	s16 =	simm.s32 $0x0  }
0xe2: {  	s17 =	sand.u32 $0x70, s16;
	s18 =	sand.u32 $0x1C00, s16  }
0xe3: {  	[tilespmem:v17+s11+$0x0] =	vst.idx.msk $0xffff, v22;
	s18 =	sor.u32 s17, s18  }
0xe4: {  	s17 =	simm.s32 $0x10;
	[tilespmem:s18+$0x5180] =	vst v22  }
.LBB2_38:
0xe5: {  	p0 =	sne.s32 s17, $0x3D0  }
.Ltmp18:
0xe6: {  	_ = 	snop;
	(pc) =	sbr.rel @p0 .LBB2_38-.Ltmp18, $4  }
0xe7: {  	s16 =	sadd.s32 $0x80, s16  }
0xe8: {  	s18 =	sand.u32 $0x70, s17;
	s19 =	sand.u32 $0x1C00, s16  }
0xe9: {  	s18 =	sor.u32 s18, s19  }
0xea: {  	s17 =	sadd.s32 $0x10, s17;
	[tilespmem:s18+$0x5180] =	vst v22  }
0xeb: {  	_ =	sdelay $0x1  }
0xec: {  	s16 =	simm.s32 $0x0  }
0xed: {  	s17 =	sand.u32 $0x70, s16;
	s18 =	sand.u32 $0x1C00, s16  }
0xee: {  	[tilespmem:v18+s11+$0x0] =	vst.idx.msk $0xffff, v22;
	s18 =	sor.u32 s17, s18  }
0xef: {  	s17 =	simm.s32 $0x10;
	[tilespmem:s18+$0x5200] =	vst v22  }
.LBB2_40:
0xf0: {  	p0 =	sne.s32 s17, $0x3D0  }
.Ltmp19:
0xf1: {  	_ = 	snop;
	(pc) =	sbr.rel @p0 .LBB2_40-.Ltmp19, $4  }
0xf2: {  	s16 =	sadd.s32 $0x80, s16  }
0xf3: {  	s18 =	sand.u32 $0x70, s17;
	s19 =	sand.u32 $0x1C00, s16  }
0xf4: {  	s18 =	sor.u32 s18, s19  }
0xf5: {  	s17 =	sadd.s32 $0x10, s17;
	[tilespmem:s18+$0x5200] =	vst v22  }
0xf6: {  	_ =	sdelay $0x1  }
0xf7: {  	s16 =	simm.s32 $0x0  }
0xf8: {  	s17 =	sand.u32 $0x70, s16;
	s18 =	sand.u32 $0x1C00, s16  }
0xf9: {  	[tilespmem:v19+s11+$0x0] =	vst.idx.msk $0xffff, v22;
	s18 =	sor.u32 s17, s18  }
0xfa: {  	s17 =	simm.s32 $0x10;
	[tilespmem:s18+$0x7080] =	vst v22  }
.LBB2_42:
0xfb: {  	p0 =	sne.s32 s17, $0x3D0  }
.Ltmp20:
0xfc: {  	_ = 	snop;
	(pc) =	sbr.rel @p0 .LBB2_42-.Ltmp20, $4  }
0xfd: {  	s16 =	sadd.s32 $0x80, s16  }
0xfe: {  	s18 =	sand.u32 $0x70, s17;
	s19 =	sand.u32 $0x1C00, s16  }
0xff: {  	s18 =	sor.u32 s18, s19  }
0x100: {  	s17 =	sadd.s32 $0x10, s17;
	[tilespmem:s18+$0x7080] =	vst v22  }
0x101: {  	_ =	sdelay $0x1  }
0x102: {  	s16 =	simm.s32 $0x0  }
0x103: {  	s17 =	sand.u32 $0x70, s16;
	s18 =	sand.u32 $0x1C00, s16  }
0x104: {  	[tilespmem:v0+s12+$0x0] =	vst.idx.msk $0xffff, v22;
	s18 =	sor.u32 s17, s18  }
0x105: {  	s17 =	simm.s32 $0x10;
	[tilespmem:s18+$0x7100] =	vst v22  }
.LBB2_44:
0x106: {  	p0 =	sne.s32 s17, $0x3D0  }
.Ltmp21:
0x107: {  	_ = 	snop;
	(pc) =	sbr.rel @p0 .LBB2_44-.Ltmp21, $4  }
0x108: {  	s16 =	sadd.s32 $0x80, s16  }
0x109: {  	s18 =	sand.u32 $0x70, s17;
	s19 =	sand.u32 $0x1C00, s16  }
0x10a: {  	s18 =	sor.u32 s18, s19  }
0x10b: {  	s17 =	sadd.s32 $0x10, s17;
	[tilespmem:s18+$0x7100] =	vst v22  }
0x10c: {  	_ =	sdelay $0x1  }
0x10d: {  	s16 =	simm.s32 $0x0  }
0x10e: {  	s17 =	sand.u32 $0x70, s16;
	s18 =	sand.u32 $0x1C00, s16  }
0x10f: {  	[tilespmem:v1+s12+$0x0] =	vst.idx.msk $0xffff, v22;
	s18 =	sor.u32 s17, s18  }
0x110: {  	s17 =	simm.s32 $0x10;
	[tilespmem:s18+$0x7180] =	vst v22  }
.LBB2_46:
0x111: {  	p0 =	sne.s32 s17, $0x3D0  }
.Ltmp22:
0x112: {  	_ = 	snop;
	(pc) =	sbr.rel @p0 .LBB2_46-.Ltmp22, $4  }
0x113: {  	s16 =	sadd.s32 $0x80, s16  }
0x114: {  	s18 =	sand.u32 $0x70, s17;
	s19 =	sand.u32 $0x1C00, s16  }
0x115: {  	s18 =	sor.u32 s18, s19  }
0x116: {  	s17 =	sadd.s32 $0x10, s17;
	[tilespmem:s18+$0x7180] =	vst v22  }
0x117: {  	_ =	sdelay $0x1  }
0x118: {  	s16 =	simm.s32 $0x0  }
0x119: {  	s17 =	sand.u32 $0x70, s16;
	s18 =	sand.u32 $0x1C00, s16  }
0x11a: {  	[tilespmem:v2+s12+$0x0] =	vst.idx.msk $0xffff, v22;
	s18 =	sor.u32 s17, s18  }
0x11b: {  	s17 =	simm.s32 $0x10;
	[tilespmem:s18+$0x7200] =	vst v22  }
.LBB2_48:
0x11c: {  	p0 =	sne.s32 s17, $0x3D0  }
.Ltmp23:
0x11d: {  	_ = 	snop;
	(pc) =	sbr.rel @p0 .LBB2_48-.Ltmp23, $4  }
0x11e: {  	s16 =	sadd.s32 $0x80, s16  }
0x11f: {  	s18 =	sand.u32 $0x70, s17;
	s19 =	sand.u32 $0x1C00, s16  }
0x120: {  	s18 =	sor.u32 s18, s19  }
0x121: {  	s17 =	sadd.s32 $0x10, s17;
	[tilespmem:s18+$0x7200] =	vst v22  }
0x122: {  	_ =	sdelay $0x1  }
0x123: {  	s16 =	simm.s32 $0x0  }
0x124: {  	s17 =	sand.u32 $0x70, s16;
	s18 =	sand.u32 $0x1C00, s16  }
0x125: {  	[tilespmem:v3+s12+$0x0] =	vst.idx.msk $0xffff, v22;
	s18 =	sor.u32 s17, s18  }
0x126: {  	s17 =	simm.s32 $0x10;
	[tilespmem:s18+$0x7280] =	vst v22  }
.LBB2_50:
0x127: {  	p0 =	sne.s32 s17, $0x3D0  }
.Ltmp24:
0x128: {  	_ = 	snop;
	(pc) =	sbr.rel @p0 .LBB2_50-.Ltmp24, $4  }
0x129: {  	s16 =	sadd.s32 $0x80, s16  }
0x12a: {  	s18 =	sand.u32 $0x70, s17;
	s19 =	sand.u32 $0x1C00, s16  }
0x12b: {  	s18 =	sor.u32 s18, s19  }
0x12c: {  	s17 =	sadd.s32 $0x10, s17;
	[tilespmem:s18+$0x7280] =	vst v22  }
0x12d: {  	_ =	sdelay $0x1  }
0x12e: {  	s16 =	simm.s32 $0x0  }
0x12f: {  	s17 =	sand.u32 $0x70, s16;
	s18 =	sand.u32 $0x1C00, s16  }
0x130: {  	[tilespmem:v4+s12+$0x0] =	vst.idx.msk $0xffff, v22;
	s18 =	sor.u32 s17, s18  }
0x131: {  	s17 =	simm.s32 $0x10;
	[tilespmem:s18+$0x7300] =	vst v22  }
.LBB2_52:
0x132: {  	p0 =	sne.s32 s17, $0x3D0  }
.Ltmp25:
0x133: {  	_ = 	snop;
	(pc) =	sbr.rel @p0 .LBB2_52-.Ltmp25, $4  }
0x134: {  	s16 =	sadd.s32 $0x80, s16  }
0x135: {  	s18 =	sand.u32 $0x70, s17;
	s19 =	sand.u32 $0x1C00, s16  }
0x136: {  	s18 =	sor.u32 s18, s19  }
0x137: {  	s17 =	sadd.s32 $0x10, s17;
	[tilespmem:s18+$0x7300] =	vst v22  }
0x138: {  	_ =	sdelay $0x1  }
0x139: {  	s16 =	simm.s32 $0x0  }
0x13a: {  	s17 =	sand.u32 $0x70, s16;
	s18 =	sand.u32 $0x1C00, s16  }
0x13b: {  	[tilespmem:v5+s12+$0x0] =	vst.idx.msk $0xffff, v22;
	s18 =	sor.u32 s17, s18  }
0x13c: {  	s17 =	simm.s32 $0x10;
	[tilespmem:s18+$0x7380] =	vst v22  }
.LBB2_54:
0x13d: {  	p0 =	sne.s32 s17, $0x3D0  }
.Ltmp26:
0x13e: {  	_ = 	snop;
	(pc) =	sbr.rel @p0 .LBB2_54-.Ltmp26, $4  }
0x13f: {  	s16 =	sadd.s32 $0x80, s16  }
0x140: {  	s18 =	sand.u32 $0x70, s17;
	s19 =	sand.u32 $0x1C00, s16  }
0x141: {  	s18 =	sor.u32 s18, s19  }
0x142: {  	s17 =	sadd.s32 $0x10, s17;
	[tilespmem:s18+$0x7380] =	vst v22  }
0x143: {  	_ =	sdelay $0x1  }
0x144: {  	s16 =	simm.s32 $0x0  }
0x145: {  	s18 =	sor.u32 s16, s16  }
0x146: {  	[tilespmem:v6+s12+$0x0] =	vst.idx.msk $0xffff, v22;
	s17 =	simm.s32 $0x10;
	s18 =	sor.u32 $0x380, s18  }
.LBB2_56:
0x147: {  	p0 =	sne.s32 s17, $0x3D0  }
0x148: {  	[tilespmem:s18+$0x7080] =	vst v22;
	s16 =	sadd.s32 $0x80, s16;
	s18 =	smov.u32 s17;
	s17 =	sadd.s32 $0x10, s17  }
.Ltmp27:
0x149: {  	(pc) =	sbr.rel @p0 .LBB2_56-.Ltmp27, $3  }
0x14a: {  	_ =	sdelay $0x1  }
0x14b: {  	s18 =	sor.u32 s16, s18  }
0x14c: {  	s18 =	sor.u32 $0x380, s18  }
0x14d: {  	_ =	sdelay $0x1  }
0x14e: {  	s16 =	simm.s32 $0x0  }
0x14f: {  	[tilespmem:s18+$0x7080] =	vst v22;
	s17 =	sand.u32 $0x70, s16;
	s31 =	sand.u32 $0x1C00, s16  }
0x150: {  	[tilespmem:v7+s12+$0x0] =	vst.idx.msk $0xffff, v22;
	s18 =	sor.u32 s17, s31  }
0x151: {  	s17 =	simm.s32 $0x10;
	[tilespmem:s18+$0x9080] =	vst v22  }
.LBB2_58:
0x152: {  	p0 =	sne.s32 s17, $0x3D0  }
.Ltmp28:
0x153: {  	_ = 	snop;
	(pc) =	sbr.rel @p0 .LBB2_58-.Ltmp28, $4  }
0x154: {  	s16 =	sadd.s32 $0x80, s16  }
0x155: {  	s18 =	sand.u32 $0x70, s17;
	s19 =	sand.u32 $0x1C00, s16  }
0x156: {  	s18 =	sor.u32 s18, s19  }
0x157: {  	s17 =	sadd.s32 $0x10, s17;
	[tilespmem:s18+$0x9080] =	vst v22  }
0x158: {  	_ =	sdelay $0x1  }
0x159: {  	s16 =	simm.s32 $0x0  }
0x15a: {  	s17 =	sand.u32 $0x70, s16;
	s18 =	sand.u32 $0x1C00, s16  }
0x15b: {  	[tilespmem:v8+s12+$0x0] =	vst.idx.msk $0xffff, v22;
	s18 =	sor.u32 s17, s18  }
0x15c: {  	s17 =	simm.s32 $0x10;
	[tilespmem:s18+$0x9100] =	vst v22  }
.LBB2_60:
0x15d: {  	p0 =	sne.s32 s17, $0x3D0  }
.Ltmp29:
0x15e: {  	_ = 	snop;
	(pc) =	sbr.rel @p0 .LBB2_60-.Ltmp29, $4  }
0x15f: {  	s16 =	sadd.s32 $0x80, s16  }
0x160: {  	s18 =	sand.u32 $0x70, s17;
	s19 =	sand.u32 $0x1C00, s16  }
0x161: {  	s18 =	sor.u32 s18, s19  }
0x162: {  	s17 =	sadd.s32 $0x10, s17;
	[tilespmem:s18+$0x9100] =	vst v22  }
0x163: {  	_ =	sdelay $0x1  }
0x164: {  	s16 =	simm.s32 $0x0  }
0x165: {  	s17 =	sand.u32 $0x70, s16;
	s18 =	sand.u32 $0x1C00, s16  }
0x166: {  	[tilespmem:v9+s12+$0x0] =	vst.idx.msk $0xffff, v22;
	s18 =	sor.u32 s17, s18  }
0x167: {  	s17 =	simm.s32 $0x10;
	[tilespmem:s18+$0x9180] =	vst v22  }
.LBB2_62:
0x168: {  	p0 =	sne.s32 s17, $0x3D0  }
.Ltmp30:
0x169: {  	_ = 	snop;
	(pc) =	sbr.rel @p0 .LBB2_62-.Ltmp30, $4  }
0x16a: {  	s16 =	sadd.s32 $0x80, s16  }
0x16b: {  	s18 =	sand.u32 $0x70, s17;
	s19 =	sand.u32 $0x1C00, s16  }
0x16c: {  	s18 =	sor.u32 s18, s19  }
0x16d: {  	s17 =	sadd.s32 $0x10, s17;
	[tilespmem:s18+$0x9180] =	vst v22  }
0x16e: {  	_ =	sdelay $0x1  }
0x16f: {  	s16 =	simm.s32 $0x0  }
0x170: {  	s17 =	sand.u32 $0x70, s16;
	s18 =	sand.u32 $0x1C00, s16  }
0x171: {  	[tilespmem:v10+s12+$0x0] =	vst.idx.msk $0xffff, v22;
	s18 =	sor.u32 s17, s18  }
0x172: {  	s17 =	simm.s32 $0x10;
	[tilespmem:s18+$0x9200] =	vst v22  }
.LBB2_64:
0x173: {  	p0 =	sne.s32 s17, $0x3D0  }
.Ltmp31:
0x174: {  	_ = 	snop;
	(pc) =	sbr.rel @p0 .LBB2_64-.Ltmp31, $4  }
0x175: {  	s16 =	sadd.s32 $0x80, s16  }
0x176: {  	s18 =	sand.u32 $0x70, s17;
	s19 =	sand.u32 $0x1C00, s16  }
0x177: {  	s18 =	sor.u32 s18, s19  }
0x178: {  	s17 =	sadd.s32 $0x10, s17;
	[tilespmem:s18+$0x9200] =	vst v22  }
0x179: {  	_ =	sdelay $0x1  }
0x17a: {  	s16 =	simm.s32 $0x0  }
0x17b: {  	s17 =	sand.u32 $0x70, s16;
	s18 =	sand.u32 $0x1C00, s16  }
0x17c: {  	[tilespmem:v11+s12+$0x0] =	vst.idx.msk $0xffff, v22;
	s18 =	sor.u32 s17, s18  }
0x17d: {  	s17 =	simm.s32 $0x10;
	[tilespmem:s18+$0x9280] =	vst v22  }
.LBB2_66:
0x17e: {  	p0 =	sne.s32 s17, $0x3D0  }
.Ltmp32:
0x17f: {  	_ = 	snop;
	(pc) =	sbr.rel @p0 .LBB2_66-.Ltmp32, $4  }
0x180: {  	s16 =	sadd.s32 $0x80, s16  }
0x181: {  	s18 =	sand.u32 $0x70, s17;
	s19 =	sand.u32 $0x1C00, s16  }
0x182: {  	s18 =	sor.u32 s18, s19  }
0x183: {  	s17 =	sadd.s32 $0x10, s17;
	[tilespmem:s18+$0x9280] =	vst v22  }
0x184: {  	_ =	sdelay $0x1  }
0x185: {  	s16 =	simm.s32 $0x0  }
0x186: {  	s17 =	sand.u32 $0x70, s16;
	s18 =	sand.u32 $0x1C00, s16  }
0x187: {  	[tilespmem:v12+s12+$0x0] =	vst.idx.msk $0xffff, v22;
	s18 =	sor.u32 s17, s18  }
0x188: {  	s17 =	simm.s32 $0x10;
	[tilespmem:s18+$0x9300] =	vst v22  }
.LBB2_68:
0x189: {  	p0 =	sne.s32 s17, $0x3D0  }
.Ltmp33:
0x18a: {  	_ = 	snop;
	(pc) =	sbr.rel @p0 .LBB2_68-.Ltmp33, $4  }
0x18b: {  	s16 =	sadd.s32 $0x80, s16  }
0x18c: {  	s18 =	sand.u32 $0x70, s17;
	s19 =	sand.u32 $0x1C00, s16  }
0x18d: {  	s18 =	sor.u32 s18, s19  }
0x18e: {  	s17 =	sadd.s32 $0x10, s17;
	[tilespmem:s18+$0x9300] =	vst v22  }
0x18f: {  	_ =	sdelay $0x1  }
0x190: {  	s16 =	simm.s32 $0x0  }
0x191: {  	s17 =	sand.u32 $0x70, s16;
	s18 =	sand.u32 $0x1C00, s16  }
0x192: {  	[tilespmem:v13+s12+$0x0] =	vst.idx.msk $0xffff, v22;
	s18 =	sor.u32 s17, s18  }
0x193: {  	s17 =	simm.s32 $0x10;
	[tilespmem:s18+$0x9380] =	vst v22  }
.LBB2_70:
0x194: {  	p0 =	sne.s32 s17, $0x3D0  }
.Ltmp34:
0x195: {  	_ = 	snop;
	(pc) =	sbr.rel @p0 .LBB2_70-.Ltmp34, $4  }
0x196: {  	s16 =	sadd.s32 $0x80, s16  }
0x197: {  	s18 =	sand.u32 $0x70, s17;
	s19 =	sand.u32 $0x1C00, s16  }
0x198: {  	s18 =	sor.u32 s18, s19  }
0x199: {  	s17 =	sadd.s32 $0x10, s17;
	[tilespmem:s18+$0x9380] =	vst v22  }
0x19a: {  	_ =	sdelay $0x1  }
0x19b: {  	s16 =	simm.s32 $0x0  }
0x19c: {  	s17 =	sand.u32 $0x70, s16;
	s18 =	sand.u32 $0x1C00, s16  }
0x19d: {  	[tilespmem:v14+s12+$0x0] =	vst.idx.msk $0xffff, v22;
	s18 =	sor.u32 s17, s18  }
0x19e: {  	s17 =	simm.s32 $0x10;
	[tilespmem:s18+$0x9400] =	vst v22  }
.LBB2_72:
0x19f: {  	p0 =	sne.s32 s17, $0x3D0  }
.Ltmp35:
0x1a0: {  	_ = 	snop;
	(pc) =	sbr.rel @p0 .LBB2_72-.Ltmp35, $4  }
0x1a1: {  	s16 =	sadd.s32 $0x80, s16  }
0x1a2: {  	s18 =	sand.u32 $0x70, s17;
	s19 =	sand.u32 $0x1C00, s16  }
0x1a3: {  	s18 =	sor.u32 s18, s19  }
0x1a4: {  	s17 =	sadd.s32 $0x10, s17;
	[tilespmem:s18+$0x9400] =	vst v22  }
0x1a5: {  	_ =	sdelay $0x1  }
0x1a6: {  	s16 =	simm.s32 $0x0  }
0x1a7: {  	s17 =	sand.u32 $0x70, s16;
	s18 =	sand.u32 $0x1C00, s16  }
0x1a8: {  	[tilespmem:v15+s12+$0x0] =	vst.idx.msk $0xffff, v22;
	s18 =	sor.u32 s17, s18  }
0x1a9: {  	s17 =	simm.s32 $0x10;
	[tilespmem:s18+$0xB080] =	vst v22  }
.LBB2_74:
0x1aa: {  	p0 =	sne.s32 s17, $0x3D0  }
.Ltmp36:
0x1ab: {  	_ = 	snop;
	(pc) =	sbr.rel @p0 .LBB2_74-.Ltmp36, $4  }
0x1ac: {  	s16 =	sadd.s32 $0x80, s16  }
0x1ad: {  	s18 =	sand.u32 $0x70, s17;
	s19 =	sand.u32 $0x1C00, s16  }
0x1ae: {  	s18 =	sor.u32 s18, s19  }
0x1af: {  	s17 =	sadd.s32 $0x10, s17;
	[tilespmem:s18+$0xB080] =	vst v22  }
0x1b0: {  	_ =	sdelay $0x1  }
0x1b1: {  	s16 =	simm.s32 $0x0  }
0x1b2: {  	s17 =	sand.u32 $0x70, s16;
	s18 =	sand.u32 $0x1C00, s16  }
0x1b3: {  	[tilespmem:v16+s12+$0x0] =	vst.idx.msk $0xffff, v22;
	s18 =	sor.u32 s17, s18  }
0x1b4: {  	s17 =	simm.s32 $0x10;
	[tilespmem:s18+$0xB100] =	vst v22  }
.LBB2_76:
0x1b5: {  	p0 =	sne.s32 s17, $0x3D0  }
.Ltmp37:
0x1b6: {  	_ = 	snop;
	(pc) =	sbr.rel @p0 .LBB2_76-.Ltmp37, $4  }
0x1b7: {  	s16 =	sadd.s32 $0x80, s16  }
0x1b8: {  	s18 =	sand.u32 $0x70, s17;
	s19 =	sand.u32 $0x1C00, s16  }
0x1b9: {  	s18 =	sor.u32 s18, s19  }
0x1ba: {  	s17 =	sadd.s32 $0x10, s17;
	[tilespmem:s18+$0xB100] =	vst v22  }
0x1bb: {  	_ =	sdelay $0x1  }
0x1bc: {  	s16 =	simm.s32 $0x0  }
0x1bd: {  	s17 =	sand.u32 $0x70, s16;
	s18 =	sand.u32 $0x1C00, s16  }
0x1be: {  	[tilespmem:v17+s12+$0x0] =	vst.idx.msk $0xffff, v22;
	s18 =	sor.u32 s17, s18  }
0x1bf: {  	s17 =	simm.s32 $0x10;
	[tilespmem:s18+$0xB180] =	vst v22  }
.LBB2_78:
0x1c0: {  	p0 =	sne.s32 s17, $0x3D0  }
.Ltmp38:
0x1c1: {  	_ = 	snop;
	(pc) =	sbr.rel @p0 .LBB2_78-.Ltmp38, $4  }
0x1c2: {  	s16 =	sadd.s32 $0x80, s16  }
0x1c3: {  	s18 =	sand.u32 $0x70, s17;
	s19 =	sand.u32 $0x1C00, s16  }
0x1c4: {  	s18 =	sor.u32 s18, s19  }
0x1c5: {  	s17 =	sadd.s32 $0x10, s17;
	[tilespmem:s18+$0xB180] =	vst v22  }
0x1c6: {  	_ =	sdelay $0x1  }
0x1c7: {  	s16 =	simm.s32 $0x0  }
0x1c8: {  	s17 =	sand.u32 $0x70, s16;
	s18 =	sand.u32 $0x1C00, s16  }
0x1c9: {  	[tilespmem:v18+s12+$0x0] =	vst.idx.msk $0xffff, v22;
	s18 =	sor.u32 s17, s18  }
0x1ca: {  	s17 =	simm.s32 $0x10;
	[tilespmem:s18+$0xB200] =	vst v22  }
.LBB2_80:
0x1cb: {  	p0 =	sne.s32 s17, $0x3D0  }
.Ltmp39:
0x1cc: {  	_ = 	snop;
	(pc) =	sbr.rel @p0 .LBB2_80-.Ltmp39, $4  }
0x1cd: {  	s16 =	sadd.s32 $0x80, s16  }
0x1ce: {  	s18 =	sand.u32 $0x70, s17;
	s19 =	sand.u32 $0x1C00, s16  }
0x1cf: {  	s18 =	sor.u32 s18, s19  }
0x1d0: {  	s17 =	sadd.s32 $0x10, s17;
	[tilespmem:s18+$0xB200] =	vst v22  }
0x1d1: {  	_ =	sdelay $0x3  }
0x1d2: {  	[tilespmem:v19+s12+$0x0] =	vst.idx.msk $0xffff, v22  }
0x1d3: {  	v24 =	vld [tilespmem:$0x0]  }
0x1d4: {  	v25 =	vld [tilespmem:$0x10];
	_ =	sdelay $0x3  }
0x1d5: {  	vm0 =	vlt.s32 v24, $0x3E7  }
0x1d6: {  	vm13 =	vlt.s32 v25, $0x3E7;
	v24 =	vnsel vm0, $0x3E7, v24  }
0x1d7: {  	v25 =	vnsel vm13, $0x3E7, v25;
	v26 =	vshll.u32 v24, $0x3  }
0x1d8: {  	v24 =	vand.u32 $0x7F, v24;
	v27 =	vshll.u32 v25, $0x3;
	v26 =	vand.u32 $0xFFFFFC00, v26  }
0x1d9: {  	v25 =	vand.u32 $0x7F, v25;
	v60 =	vand.u32 $0xFFFFFC00, v27;
	v24 =	vor.u32 v24, v26  }
0x1da: {  	v25 =	vor.u32 v25, v60;
	v24 =	vadd.s32 v20, v24  }
0x1db: {  	v25 =	vadd.s32 v21, v25;
	_ =	sdelay $0x3  }
0x1dc: {  	[tilespmem:v24+s11+$0x0] =	vst.idx.msk $0xffff, v23  }
0x1dd: {  	[tilespmem:v25+s11+$0x0] =	vst.idx.msk $0xf, v23  }
0x1de: {  	[hbm4b:s4+s2] =	stream.linear.scatter [tilespmem:s11], [sflag:$0x1], $0x6000, $0x38;
	[tilespmem:$0xD080] =	vst v63  }
0x1df: {  	v24 =	vld [tilespmem:$0x20]  }
0x1e0: {  	v25 =	vld [tilespmem:$0x30];
	_ =	sdelay $0x3  }
0x1e1: {  	vm14 =	vlt.s32 v24, $0x3E7  }
0x1e2: {  	vm15 =	vlt.s32 v25, $0x3E7;
	v24 =	vnsel vm14, $0x3E7, v24  }
0x1e3: {  	v25 =	vnsel vm15, $0x3E7, v25;
	v61 =	vshll.u32 v24, $0x3  }
0x1e4: {  	v24 =	vand.u32 $0x7F, v24;
	v62 =	vshll.u32 v25, $0x3;
	v26 =	vand.u32 $0xFFFFFC00, v61  }
0x1e5: {  	v25 =	vand.u32 $0x7F, v25;
	v63 =	vand.u32 $0xFFFFFC00, v62;
	v24 =	vor.u32 v24, v26  }
0x1e6: {  	v25 =	vor.u32 v25, v63;
	v24 =	vadd.s32 v20, v24  }
0x1e7: {  	v25 =	vadd.s32 v21, v25;
	_ =	sdelay $0x3  }
0x1e8: {  	[tilespmem:v24+s12+$0x0] =	vst.idx.msk $0xffff, v23  }
0x1e9: {  	s16 =	simm.s32 $0xFFFA1800;
	s17 =	simm.s32 $0x40;
	[tilespmem:v25+s12+$0x0] =	vst.idx.msk $0xf, v23  }
0x1ea: {  	[hbm4b:s6+s2] =	stream.linear.scatter [tilespmem:s12], [sflag:$0x2], $0x6000, $0x38;
	[tilespmem:$0xD080] =	vst v63  }
.LBB2_82:
0x1eb: {  	_ =	swait.ge [sflag:s13], $0x6000  }
0x1ec: {  	[sflag:s13] =	ssyncset.done $0x0  }
0x1ed: {  	[sflag:s13] =	ssyncadd.s32 $0xFFFFA000  }
0x1ee: {  	v24 =	vld [tilespmem:s17+$0xFFFFFFC0]  }
0x1ef: {  	v25 =	vld [tilespmem:s17+$0xFFFFFFD0];
	_ =	sdelay $0x3  }
0x1f0: {  	vm0 =	vlt.s32 v24, $0x3E7  }
0x1f1: {  	vm9 =	vlt.s32 v25, $0x3E7;
	v24 =	vnsel vm0, $0x3E7, v24  }
0x1f2: {  	v25 =	vnsel vm9, $0x3E7, v25;
	v26 =	vshll.u32 v24, $0x3  }
0x1f3: {  	v24 =	vand.u32 $0x7F, v24;
	v27 =	vshll.u32 v25, $0x3;
	v26 =	vand.u32 $0xFFFFFC00, v26  }
0x1f4: {  	v25 =	vand.u32 $0x7F, v25;
	v52 =	vand.u32 $0xFFFFFC00, v27;
	v24 =	vor.u32 v24, v26  }
0x1f5: {  	v25 =	vor.u32 v25, v52;
	v24 =	vadd.s32 v20, v24  }
0x1f6: {  	v25 =	vadd.s32 v21, v25;
	_ =	sdelay $0x3  }
0x1f7: {  	[tilespmem:v24+s11+$0x0] =	vst.idx.msk $0xffff, v22  }
0x1f8: {  	[tilespmem:v25+s11+$0x0] =	vst.idx.msk $0xf, v22  }
0x1f9: {  	v24 =	vld [tilespmem:s17+$0x0]  }
0x1fa: {  	v25 =	vld [tilespmem:s17+$0x10];
	_ =	sdelay $0x3  }
0x1fb: {  	vm10 =	vlt.s32 v24, $0x3E7  }
0x1fc: {  	vm11 =	vlt.s32 v25, $0x3E7;
	v24 =	vnsel vm10, $0x3E7, v24  }
0x1fd: {  	v25 =	vnsel vm11, $0x3E7, v25;
	v53 =	vshll.u32 v24, $0x3  }
0x1fe: {  	v24 =	vand.u32 $0x7F, v24;
	v54 =	vshll.u32 v25, $0x3;
	v26 =	vand.u32 $0xFFFFFC00, v53  }
0x1ff: {  	v25 =	vand.u32 $0x7F, v25;
	v55 =	vand.u32 $0xFFFFFC00, v54;
	v24 =	vor.u32 v24, v26  }
0x200: {  	v25 =	vor.u32 v25, v55;
	v24 =	vadd.s32 v20, v24  }
0x201: {  	v25 =	vadd.s32 v21, v25;
	_ =	sdelay $0x3  }
0x202: {  	s18 =	sadd.s32 s16, s8;
	[tilespmem:v24+s11+$0x0] =	vst.idx.msk $0xffff, v23  }
0x203: {  	s19 =	sadd.s32 $0x60000, s18;
	[tilespmem:v25+s11+$0x0] =	vst.idx.msk $0xf, v23  }
0x204: {  	[hbm4b:s19+s2] =	stream.linear.scatter [tilespmem:s11], [sflag:$0x1], $0x6000, $0x38;
	[tilespmem:$0xD080] =	vst v63  }
0x205: {  	_ =	swait.ge [sflag:s14], $0x6000  }
0x206: {  	[sflag:s14] =	ssyncset.done $0x0  }
0x207: {  	[sflag:s14] =	ssyncadd.s32 $0xFFFFA000  }
0x208: {  	v56 =	vld [tilespmem:s17+$0xFFFFFFE0]  }
0x209: {  	v57 =	vld [tilespmem:s17+$0xFFFFFFF0];
	_ =	sdelay $0x3  }
0x20a: {  	vm12 =	vlt.s32 v56, $0x3E7  }
0x20b: {  	vm13 =	vlt.s32 v57, $0x3E7;
	v24 =	vnsel vm12, $0x3E7, v56  }
0x20c: {  	v25 =	vnsel vm13, $0x3E7, v57;
	v58 =	vshll.u32 v24, $0x3  }
0x20d: {  	v24 =	vand.u32 $0x7F, v24;
	v59 =	vshll.u32 v25, $0x3;
	v26 =	vand.u32 $0xFFFFFC00, v58  }
0x20e: {  	v25 =	vand.u32 $0x7F, v25;
	v60 =	vand.u32 $0xFFFFFC00, v59;
	v24 =	vor.u32 v24, v26  }
0x20f: {  	v25 =	vor.u32 v25, v60;
	v24 =	vadd.s32 v20, v24  }
0x210: {  	v25 =	vadd.s32 v21, v25;
	_ =	sdelay $0x3  }
0x211: {  	[tilespmem:v24+s12+$0x0] =	vst.idx.msk $0xffff, v22  }
0x212: {  	[tilespmem:v25+s12+$0x0] =	vst.idx.msk $0xf, v22  }
0x213: {  	v24 =	vld [tilespmem:s17+$0x20]  }
0x214: {  	v25 =	vld [tilespmem:s17+$0x30];
	_ =	sdelay $0x3  }
0x215: {  	vm14 =	vlt.s32 v24, $0x3E7  }
0x216: {  	vm15 =	vlt.s32 v25, $0x3E7;
	v24 =	vnsel vm14, $0x3E7, v24  }
0x217: {  	v25 =	vnsel vm15, $0x3E7, v25;
	v61 =	vshll.u32 v24, $0x3  }
0x218: {  	v24 =	vand.u32 $0x7F, v24;
	v62 =	vshll.u32 v25, $0x3;
	v26 =	vand.u32 $0xFFFFFC00, v61  }
0x219: {  	v25 =	vand.u32 $0x7F, v25;
	v63 =	vand.u32 $0xFFFFFC00, v62;
	v24 =	vor.u32 v24, v26  }
0x21a: {  	v25 =	vor.u32 v25, v63;
	v24 =	vadd.s32 v20, v24  }
0x21b: {  	v25 =	vadd.s32 v21, v25  }
0x21c: {  	p0 =	sne.s32 s16, $0xFFFFE800  }
.Ltmp40:
0x21d: {  	_ = 	snop;
	(pc) =	sbr.rel @p0 .LBB2_82-.Ltmp40, $4  }
0x21e: {  	_ = 	snop  }
0x21f: {  	[tilespmem:v24+s12+$0x0] =	vst.idx.msk $0xffff, v23  }
0x220: {  	s16 =	sadd.s32 $0x1800, s16;
	s18 =	sadd.s32 $0x60C00, s18;
	s17 =	sadd.s32 $0x40, s17;
	[tilespmem:v25+s12+$0x0] =	vst.idx.msk $0xf, v23  }
0x221: {  	[hbm4b:s18+s2] =	stream.linear.scatter [tilespmem:s12], [sflag:$0x2], $0x6000, $0x38;
	[tilespmem:$0xD080] =	vst v63  }
0x222: {  	s15 =	sadd.s32 $0x1, s15  }
0x223: {  	_ =	swait.ge [sflag:s13], $0x6000;
	p0 =	sne.s32 s15, s7  }
.Ltmp41:
0x224: {  	[sflag:s13] =	ssyncset.done $0x0;
	(pc) =	sbr.rel @p0 .LBB2_1-.Ltmp41, $4  }
0x225: {  	[sflag:s13] =	ssyncadd.s32 $0xFFFFA000  }
0x226: {  	_ =	swait.ge [sflag:s14], $0x6000  }
0x227: {  	[sflag:s14] =	ssyncset.done $0x0  }
0x228: {  	[sflag:s14] =	ssyncadd.s32 $0xFFFFA000  }
0x229: {  	_ =	sfence.sel $0x180000  }
0x22a: {  	[bflag:$0x0] =	sbarrier.arrive $0xFFFF  }
0x22b: {  	p0 =	sne.s32 s1, $0x0;
	_ =	strace $0x90000047  }
0x22c: {  	s0 =	sadd.s32 @!p0 $0x100000, s0;
	[bflag:$0x2] =	sbarrier.arrive $0xFFFF  }
0x22d: {  	[sflag:s0] =	ssyncadd.tile.s32 @!p0 $0x1;
	_ =	shalt  }
.Lfunc_end2:
_tile_overlayer_lowered:
.L_overlay_start_2:
0x22e: {  	(tag) =	ssettag $0x2  }
0x22f: {  	s0 =	rddreg [dreg:$0x0];
	s2 =	stileid.u32  }
0x230: {  	s1 =	rddreg [dreg:$0x1];
	p0 =	sne.s32 s2, $0x0  }
0x231: {  	s3 =	rddreg [dreg:$0x2];
	[bflag:$0x3] =	sbarrier.arrive $0xFFFF;
	s2 =	simm.s32 @!p0 $0x1C03  }
0x232: {  	[timem:s3], [sflag:s2] =	dma.local @!p0 [hbm:s0], s1  }
0x233: {  	s0 =	simm.s32 @!p0 $0x3  }
0x234: {  	_ =	swait.ge @!p0 [sflag:s0], s1  }
0x235: {  	s1 =	ssub.s32 @!p0 $0x0, s1;
	[sflag:s0] =	ssyncset.done @!p0 $0x0  }
0x236: {  	[sflag:s0] =	ssyncadd.s32 @!p0 s1  }
0x237: {  	[bflag:$0x3] =	sbarrier.arrive $0xFFFF  }
0x238: {  	_ =	shalt  }

</sc_bundles>
